<compile_context>
chip_gen: v7x
topology: tpu7x:2x2x1
jax: 0.10.2.dev20260603
libtpu: 0.0.44.dev20260713+nightly
codegen_flags: <defaults>
</compile_context>

<pallas_src>
import functools

import jax
import jax.numpy as jnp
from jax import lax
from jax.experimental import pallas as pl
from jax.experimental.pallas import tpu as pltpu
from jax.experimental.pallas import tpu_sc as plsc

N = 10000
E = 320000
IN_DIM = 128
HID = 128
OUT = 64

NPAD = 10240
K = 128
NC = 2
NS = 16
ROWS_W = 80
NB = NC * NS * ROWS_W
EPAD = NB * K
SLICE = NPAD // NS
DEG_W = 16
IB = 40
NCHUNK = ROWS_W // IB
NBUF = 2
R = 1000


def _mesh():
    return plsc.VectorSubcoreMesh(core_axis_name="c", subcore_axis_name="s")


def _sc_deg(edges3d):
    @functools.partial(
        pl.kernel,
        out_type=jax.ShapeDtypeStruct((NC, NPAD, DEG_W), jnp.float32),
        mesh=_mesh(),
        scratch_types=[
            pltpu.VMEM((ROWS_W, 2, K), jnp.int32),
            pltpu.VMEM((K, DEG_W), jnp.float32),
            pltpu.VMEM_SHARED((NPAD, DEG_W), jnp.float32),
        ],
    )
    def body(e_hbm, out_hbm, idx_v, buf_v, acc):
        c = lax.axis_index("c")
        s = lax.axis_index("s")

        @pl.loop(0, K)
        def _(i):
            buf_v[i, :] = jnp.zeros((DEG_W,), jnp.float32)

        @pl.loop(0, SLICE, step=K)
        def _(r):
            pltpu.sync_copy(buf_v, acc.at[pl.ds(s * SLICE + r, K)])

        row0 = (c * NS + s) * ROWS_W
        pltpu.sync_copy(e_hbm.at[pl.ds(row0, ROWS_W)], idx_v)

        @pl.loop(0, K)
        def _(i):
            buf_v[i, :] = jnp.ones((DEG_W,), jnp.float32)

        plsc.subcore_barrier()

        @pl.loop(0, ROWS_W)
        def _(b):
            pltpu.sync_copy(buf_v, acc.at[idx_v.at[b, 1]], add=True)

        plsc.subcore_barrier()
        pltpu.sync_copy(acc.at[pl.ds(s * SLICE, K)], buf_v)
        plsc.subcore_barrier()
        pltpu.sync_copy(
            acc.at[pl.ds(s * SLICE, SLICE)],
            out_hbm.at[c].at[pl.ds(s * SLICE, SLICE)],
        )

    return body(edges3d)


def _sc_gs(hp, edges3d, d):
    @functools.partial(
        pl.kernel,
        out_type=jax.ShapeDtypeStruct((NC, NPAD, d), jnp.float32),
        mesh=_mesh(),
        scratch_types=[
            pltpu.VMEM((IB, 2, K), jnp.int32),
            pltpu.VMEM((K, d), jnp.float32),
            pltpu.VMEM((K, d), jnp.float32),
            pltpu.VMEM_SHARED((NPAD, d), jnp.float32),
            pltpu.SemaphoreType.DMA,
            pltpu.SemaphoreType.DMA,
        ],
        compiler_params=pltpu.CompilerParams(use_tc_tiling_on_sc=False),
    )
    def body(h_hbm, e_hbm, out_hbm, idx_v, rows0, rows1,
             acc, sem0, sem1):
        c = lax.axis_index("c")
        s = lax.axis_index("s")

        @pl.loop(0, K)
        def _(i):
            @pl.loop(0, d, step=16)
            def _(j):
                rows0[i, pl.ds(j, 16)] = jnp.zeros((16,), jnp.float32)

        @pl.loop(0, SLICE, step=K)
        def _(r):
            pltpu.sync_copy(rows0, acc.at[pl.ds(s * SLICE + r, K)])

        row0 = (c * NS + s) * ROWS_W
        plsc.subcore_barrier()

        @pl.loop(0, NCHUNK)
        def _(t):
            pltpu.sync_copy(e_hbm.at[pl.ds(row0 + t * IB, IB)], idx_v)
            pltpu.async_copy(h_hbm.at[idx_v.at[0, 0]], rows0, sem0)

            @pl.loop(0, IB - 2, step=2)
            def _(b):
                pltpu.async_copy(h_hbm.at[idx_v.at[b + 1, 0]], rows1, sem1)
                pltpu.make_async_copy(h_hbm.at[idx_v.at[b, 0]], rows0, sem0).wait()
                pltpu.sync_copy(rows0, acc.at[idx_v.at[b, 1]], add=True)
                pltpu.async_copy(h_hbm.at[idx_v.at[b + 2, 0]], rows0, sem0)
                pltpu.make_async_copy(h_hbm.at[idx_v.at[b + 1, 0]], rows1, sem1).wait()
                pltpu.sync_copy(rows1, acc.at[idx_v.at[b + 1, 1]], add=True)

            last = IB - 2
            pltpu.async_copy(h_hbm.at[idx_v.at[last + 1, 0]], rows1, sem1)
            pltpu.make_async_copy(h_hbm.at[idx_v.at[last, 0]], rows0, sem0).wait()
            pltpu.sync_copy(rows0, acc.at[idx_v.at[last, 1]], add=True)
            pltpu.make_async_copy(h_hbm.at[idx_v.at[last + 1, 0]], rows1, sem1).wait()
            pltpu.sync_copy(rows1, acc.at[idx_v.at[last + 1, 1]], add=True)

        plsc.subcore_barrier()
        pltpu.sync_copy(acc.at[pl.ds(s * SLICE, K)], rows0)
        plsc.subcore_barrier()
        pltpu.sync_copy(
            acc.at[pl.ds(s * SLICE, SLICE)],
            out_hbm.at[c].at[pl.ds(s * SLICE, SLICE)],
        )

    return body(hp, edges3d)


def _tc_mm(x, w):
    n, kdim = x.shape
    m = w.shape[1]

    def body(x_ref, w_ref, o_ref):
        o_ref[...] = jnp.dot(x_ref[...], w_ref[...],
                             preferred_element_type=jnp.float32)

    return pl.pallas_call(
        body,
        grid=(n // R,),
        in_specs=[
            pl.BlockSpec((R, kdim), lambda i: (i, 0)),
            pl.BlockSpec((kdim, m), lambda i: (0, 0)),
        ],
        out_specs=pl.BlockSpec((R, m), lambda i: (i, 0)),
        out_shape=jax.ShapeDtypeStruct((n, m), jnp.float32),
    )(x, w)


def _tc_scale(h, deg_parts):
    def body(h_ref, deg_ref, hp_ref, dinv_ref):
        deg = deg_ref[0, :, 0:1] + deg_ref[1, :, 0:1] + 1.0
        dinv = lax.rsqrt(deg)
        hp_ref[...] = h_ref[...] * dinv
        dinv_ref[...] = dinv

    return pl.pallas_call(
        body,
        grid=(N // R,),
        in_specs=[
            pl.BlockSpec((R, HID), lambda i: (i, 0)),
            pl.BlockSpec((2, R, DEG_W), lambda i: (0, i, 0)),
        ],
        out_specs=[
            pl.BlockSpec((R, HID), lambda i: (i, 0)),
            pl.BlockSpec((R, 1), lambda i: (i, 0)),
        ],
        out_shape=[
            jax.ShapeDtypeStruct((N, HID), jnp.float32),
            jax.ShapeDtypeStruct((N, 1), jnp.float32),
        ],
    )(h, deg_parts)


def _tc_layer2(s1, hp1, dinv, b1, w2):
    def body(s_ref, hp_ref, dinv_ref, b_ref, w_ref, o_ref):
        t = (s_ref[0] + s_ref[1] + hp_ref[...]) * dinv_ref[...] + b_ref[...]
        x2 = jnp.maximum(t, 0.0)
        h2 = jnp.dot(x2, w_ref[...], preferred_element_type=jnp.float32)
        o_ref[...] = h2 * dinv_ref[...]

    return pl.pallas_call(
        body,
        grid=(N // R,),
        in_specs=[
            pl.BlockSpec((2, R, HID), lambda i: (0, i, 0)),
            pl.BlockSpec((R, HID), lambda i: (i, 0)),
            pl.BlockSpec((R, 1), lambda i: (i, 0)),
            pl.BlockSpec((1, HID), lambda i: (0, 0)),
            pl.BlockSpec((HID, OUT), lambda i: (0, 0)),
        ],
        out_specs=pl.BlockSpec((R, OUT), lambda i: (i, 0)),
        out_shape=jax.ShapeDtypeStruct((N, OUT), jnp.float32),
    )(s1, hp1, dinv, b1, w2)


def _tc_out(s2, hp2, dinv, b2):
    def body(s_ref, hp_ref, dinv_ref, b_ref, o_ref):
        t = (s_ref[0] + s_ref[1] + hp_ref[...]) * dinv_ref[...] + b_ref[...]
        m = jnp.max(t, axis=1, keepdims=True)
        lse = jnp.log(jnp.sum(jnp.exp(t - m), axis=1, keepdims=True)) + m
        o_ref[...] = t - lse

    return pl.pallas_call(
        body,
        grid=(N // R,),
        in_specs=[
            pl.BlockSpec((2, R, OUT), lambda i: (0, i, 0)),
            pl.BlockSpec((R, OUT), lambda i: (i, 0)),
            pl.BlockSpec((R, 1), lambda i: (i, 0)),
            pl.BlockSpec((1, OUT), lambda i: (0, 0)),
        ],
        out_specs=pl.BlockSpec((R, OUT), lambda i: (i, 0)),
        out_shape=jax.ShapeDtypeStruct((N, OUT), jnp.float32),
    )(s2, hp2, dinv, b2)


@jax.jit
def kernel(x, edge_index, W1, b1, W2, b2):
    npad_e = EPAD - E
    pad_src = jnp.zeros((npad_e,), jnp.int32)
    pad_dst = N + (jnp.arange(npad_e, dtype=jnp.int32) % (NPAD - N))
    src2d = jnp.concatenate([edge_index[0], pad_src]).reshape(NB, K)
    dst2d = jnp.concatenate([edge_index[1], pad_dst]).reshape(NB, K)
    edges3d = jnp.stack([src2d, dst2d], axis=1)

    deg_parts = _sc_deg(edges3d)
    h1 = _tc_mm(x, W1)
    hp1, dinv = _tc_scale(h1, deg_parts)

    s1 = _sc_gs(hp1, edges3d, HID)
    hp2 = _tc_layer2(s1, hp1, dinv, b1.reshape(1, HID), W2)

    s2 = _sc_gs(hp2, edges3d, OUT)
    return _tc_out(s2, hp2, dinv, b2.reshape(1, OUT))

# --- scband reference (transcript-rebuilt; emitter-appended) ---
"""Pipeline reference for scband-gcn-28535762715201 (READ-ONLY COPY).

The authoritative reference and input builder live on the scoring server;
editing this copy changes nothing except your own understanding.
"""

import jax, jax.numpy as jnp
import numpy as np

N = 10000
E = 320000
IN_DIM = 128
HID = 128
OUT = 64


def setup_inputs(seed: int = 0) -> dict:
    key = jax.random.key(seed)
    k1, k2, k3, k4 = jax.random.split(key, 4)
    x = jax.random.normal(k1, (N, IN_DIM), dtype=jnp.float32)
    edge_index = jax.random.randint(k2, (2, E), 0, N, dtype=jnp.int32)
    W1 = jax.random.normal(k3, (IN_DIM, HID), dtype=jnp.float32) * (1.0 / np.sqrt(IN_DIM))
    b1 = jnp.zeros((HID,), dtype=jnp.float32)
    W2 = jax.random.normal(k4, (HID, OUT), dtype=jnp.float32) * (1.0 / np.sqrt(HID))
    b2 = jnp.zeros((OUT,), dtype=jnp.float32)
    return {"x": x, "edge_index": edge_index, "W1": W1, "b1": b1, "W2": W2, "b2": b2}


def gcn_conv(x, edge_index, W, b):
    # PyG GCNConv: add self loops + symmetric normalization D^-1/2 A D^-1/2
    n = x.shape[0]
    src = edge_index[0]
    dst = edge_index[1]
    loop = jnp.arange(n, dtype=src.dtype)
    src = jnp.concatenate([src, loop])
    dst = jnp.concatenate([dst, loop])
    deg = jnp.zeros((n,), dtype=x.dtype).at[dst].add(1.0)
    deg_inv_sqrt = jnp.where(deg > 0, 1.0 / jnp.sqrt(deg), 0.0)
    norm = deg_inv_sqrt[src] * deg_inv_sqrt[dst]
    h = x @ W
    msg = h[src] * norm[:, None]
    out = jnp.zeros((n, W.shape[1]), dtype=x.dtype).at[dst].add(msg)
    return out + b


def reference(x, edge_index, W1, b1, W2, b2):
    h = gcn_conv(x, edge_index, W1, b1)
    h = jax.nn.relu(h)
    # F.dropout with training=False is identity (eval mode)
    h = gcn_conv(h, edge_index, W2, b2)
    return jax.nn.log_softmax(h, axis=1)

if __name__ == "__main__":
    import jax
    _d = setup_inputs()
    print(jax.jit(kernel)(*tuple(_d.values())))

</pallas_src>

<mosaic_0001>
#map = affine_map<(d0, d1) -> (0, 0)>
#map1 = affine_map<(d0, d1) -> (0, 0, 0)>
module attributes {stable_mosaic.version = 14 : i64} {
  func.func @body(%arg0: i32, %arg1: i32, %arg2: memref<10000x128xf32, #tpu.memory_space<hbm>>, %arg3: memref<2560x2x128xi32, #tpu.memory_space<hbm>>, %arg4: memref<2x10240x128xf32, #tpu.memory_space<hbm>>, %arg5: memref<40x2x128xi32, #tpu.memory_space<vmem>>, %arg6: memref<128x128xf32, #tpu.memory_space<vmem>>, %arg7: memref<128x128xf32, #tpu.memory_space<vmem>>, %arg8: memref<10240x128xf32, #tpu.memory_space<vmem_shared>>, %arg9: memref<!tpu.dma_semaphore, #tpu.memory_space<semaphore_mem>>, %arg10: memref<!tpu.dma_semaphore, #tpu.memory_space<semaphore_mem>>) attributes {dimension_semantics = [#tpu.dimension_semantics<core_parallel>, #tpu.dimension_semantics<subcore_parallel>], iteration_bounds = array<i64: 2, 16>, scalar_prefetch = 0 : i64, scratch_operands = 6 : i64, tpu.core_type = #tpu.core_type<sc_vector_subcore>, window_params = [{transform_indices = #map}, {transform_indices = #map1}, {transform_indices = #map1}]} {
    %scan3A = arith.constant 0 : i32
    %scan3A_0 = arith.constant 128 : i32
    %scan3A_1 = arith.addi %scan3A, %scan3A_0 : i32
    %scan3A_2 = arith.constant 1 : i32
    scf.for %scan3A_25 = %scan3A to %scan3A_1 step %scan3A_2  : i32 {
      %mul3A_26 = arith.constant 1 : i32
      %mul3A_27 = arith.muli %scan3A_25, %mul3A_26 : i32
      %add3A_28 = arith.constant 0 : i32
      %add3A_29 = arith.addi %add3A_28, %mul3A_27 : i32
      %scan3A_30 = arith.constant 0 : i32
      %scan3A_31 = arith.constant 8 : i32
      %scan3A_32 = arith.addi %scan3A_30, %scan3A_31 : i32
      %scan3A_33 = arith.constant 1 : i32
      scf.for %scan3A_35 = %scan3A_30 to %scan3A_32 step %scan3A_33  : i32 {
        %mul3A_36 = arith.constant 16 : i32
        %mul3A_37 = arith.muli %scan3A_35, %mul3A_36 : i32
        %add3A_38 = arith.constant 0 : i32
        %add3A_39 = arith.addi %add3A_38, %mul3A_37 : i32
        %broadcast_in_dim3A = arith.constant 0.000000e+00 : f32
        %broadcast_in_dim3A_40 = vector.broadcast %broadcast_in_dim3A : f32 to vector<16xf32>
        %swap3A = arith.index_cast %add3A_29 : i32 to index
        %swap3A_41 = arith.index_cast %add3A_39 : i32 to index
        %swap3A_42 = tpu.vector_load %arg6[%swap3A, %swap3A_41] {strides = array<i32>} : memref<128x128xf32, #tpu.memory_space<vmem>>, vector<1x16xf32>,
        %swap3A_43 = vector.shape_cast %swap3A_42 : vector<1x16xf32> to vector<16xf32>
        %swap3A_44 = vector.shape_cast %broadcast_in_dim3A_40 : vector<16xf32> to vector<1x16xf32>
        tpu.vector_store %arg6[%swap3A, %swap3A_41], %swap3A_44 {strides = array<i32>} : memref<128x128xf32, #tpu.memory_space<vmem>>, vector<1x16xf32>,
      }
      %scan3A_34 = arith.constant 8 : i32
    }
    %scan3A_3 = arith.constant 128 : i32
    %scan3A_4 = arith.constant 0 : i32
    %scan3A_5 = arith.constant 5 : i32
    %scan3A_6 = arith.addi %scan3A_4, %scan3A_5 : i32
    %scan3A_7 = arith.constant 1 : i32
    scf.for %scan3A_25 = %scan3A_4 to %scan3A_6 step %scan3A_7  : i32 {
      %mul3A_26 = arith.constant 128 : i32
      %mul3A_27 = arith.muli %scan3A_25, %mul3A_26 : i32
      %add3A_28 = arith.constant 0 : i32
      %add3A_29 = arith.addi %add3A_28, %mul3A_27 : i32
      %mul3A_30 = arith.constant 640 : i32
      %mul3A_31 = arith.muli %arg1, %mul3A_30 : i32
      %add3A_32 = arith.addi %mul3A_31, %add3A_29 : i32
      "tpu.region"() ({
        %run_scoped3A = tpu.sem_alloc : memref<!tpu.dma_semaphore, #tpu.memory_space<semaphore_mem>>
        %dma_start3A = arith.constant 0 : i32
        %dma_start3A_33 = tpu.memref_slice %arg8[%add3A_32, %dma_start3A] : memref<10240x128xf32, #tpu.memory_space<vmem_shared>> -> memref<128x128xf32, #tpu.memory_space<vmem_shared>>
        %dma_start3A_34 = arith.constant 0 : i32
        %dma_start3A_35 = tpu.memref_slice %arg8[%add3A_32, %dma_start3A_34] : memref<10240x128xf32, #tpu.memory_space<vmem_shared>> -> memref<128x128xf32, #tpu.memory_space<vmem_shared>>
        tpu.enqueue_dma source(%arg6 : memref<128x128xf32, #tpu.memory_space<vmem>>) target(%dma_start3A_35 : memref<128x128xf32, #tpu.memory_space<vmem_shared>>) target_semaphore(%run_scoped3A : memref<!tpu.dma_semaphore, #tpu.memory_space<semaphore_mem>>)
        %dma_wait3A = arith.constant 0 : i32
        %dma_wait3A_36 = tpu.memref_slice %arg8[%add3A_32, %dma_wait3A] : memref<10240x128xf32, #tpu.memory_space<vmem_shared>> -> memref<128x128xf32, #tpu.memory_space<vmem_shared>>
        %dma_wait3A_37 = arith.constant 0 : i32
        %dma_wait3A_38 = tpu.memref_slice %arg8[%add3A_32, %dma_wait3A_37] : memref<10240x128xf32, #tpu.memory_space<vmem_shared>> -> memref<128x128xf32, #tpu.memory_space<vmem_shared>>
        tpu.wait_dma2 semaphore(%run_scoped3A : memref<!tpu.dma_semaphore, #tpu.memory_space<semaphore_mem>>) src(%arg6 : memref<128x128xf32, #tpu.memory_space<vmem>>) dst(%dma_wait3A_38 : memref<128x128xf32, #tpu.memory_space<vmem_shared>>)
        tpu.yield
      }) : () -> ()
    }
    %scan3A_8 = arith.constant 5 : i32
    %mul3A = arith.constant 16 : i32
    %mul3A_9 = arith.muli %arg0, %mul3A : i32
    %add3A = arith.addi %mul3A_9, %arg1 : i32
    %mul3A_10 = arith.constant 80 : i32
    %mul3A_11 = arith.muli %add3A, %mul3A_10 : i32
    %barrier3A = arith.constant 0 : index
    tpu.barrier barrier_id(%barrier3A)
    %scan3A_12 = arith.constant 0 : i32
    %scan3A_13 = arith.constant 2 : i32
    %scan3A_14 = arith.addi %scan3A_12, %scan3A_13 : i32
    %scan3A_15 = arith.constant 1 : i32
    scf.for %scan3A_25 = %scan3A_12 to %scan3A_14 step %scan3A_15  : i32 {
      %mul3A_26 = arith.constant 1 : i32
      %mul3A_27 = arith.muli %scan3A_25, %mul3A_26 : i32
      %add3A_28 = arith.constant 0 : i32
      %add3A_29 = arith.addi %add3A_28, %mul3A_27 : i32
      %mul3A_30 = arith.constant 40 : i32
      %mul3A_31 = arith.muli %add3A_29, %mul3A_30 : i32
      %add3A_32 = arith.addi %mul3A_11, %mul3A_31 : i32
      "tpu.region"() ({
        %run_scoped3A_71 = tpu.sem_alloc : memref<!tpu.dma_semaphore, #tpu.memory_space<semaphore_mem>>
        %dma_start3A_72 = arith.constant 0 : i32
        %dma_start3A_73 = arith.constant 0 : i32
        %dma_start3A_74 = tpu.memref_slice %arg3[%add3A_32, %dma_start3A_72, %dma_start3A_73] : memref<2560x2x128xi32, #tpu.memory_space<hbm>> -> memref<40x2x128xi32, #tpu.memory_space<hbm>>
        %dma_start3A_75 = arith.constant 0 : i32
        %dma_start3A_76 = arith.constant 0 : i32
        %dma_start3A_77 = tpu.memref_slice %arg3[%add3A_32, %dma_start3A_75, %dma_start3A_76] : memref<2560x2x128xi32, #tpu.memory_space<hbm>> -> memref<40x2x128xi32, #tpu.memory_space<hbm>>
        tpu.enqueue_dma source(%dma_start3A_77 : memref<40x2x128xi32, #tpu.memory_space<hbm>>) target(%arg5 : memref<40x2x128xi32, #tpu.memory_space<vmem>>) target_semaphore(%run_scoped3A_71 : memref<!tpu.dma_semaphore, #tpu.memory_space<semaphore_mem>>)
        %dma_wait3A_78 = arith.constant 0 : i32
        %dma_wait3A_79 = arith.constant 0 : i32
        %dma_wait3A_80 = tpu.memref_slice %arg3[%add3A_32, %dma_wait3A_78, %dma_wait3A_79] : memref<2560x2x128xi32, #tpu.memory_space<hbm>> -> memref<40x2x128xi32, #tpu.memory_space<hbm>>
        %dma_wait3A_81 = arith.constant 0 : i32
        %dma_wait3A_82 = arith.constant 0 : i32
        %dma_wait3A_83 = tpu.memref_slice %arg3[%add3A_32, %dma_wait3A_81, %dma_wait3A_82] : memref<2560x2x128xi32, #tpu.memory_space<hbm>> -> memref<40x2x128xi32, #tpu.memory_space<hbm>>
        tpu.wait_dma2 semaphore(%run_scoped3A_71 : memref<!tpu.dma_semaphore, #tpu.memory_space<semaphore_mem>>) src(%dma_wait3A_83 : memref<40x2x128xi32, #tpu.memory_space<hbm>>) dst(%arg5 : memref<40x2x128xi32, #tpu.memory_space<vmem>>)
        tpu.yield
      }) : () -> ()
      %dma_start3A = arith.constant 0 : i32
      %dma_start3A_33 = arith.constant 0 : i32
      %dma_start3A_34 = arith.constant 0 : i32
      %dma_start3A_35 = tpu.memref_slice %arg5[%dma_start3A, %dma_start3A_33, %dma_start3A_34] : memref<40x2x128xi32, #tpu.memory_space<vmem>> -> memref<1x1x128xi32, #tpu.memory_space<vmem>>
      %dma_start3A_36 = tpu.memref_squeeze %dma_start3A_35 : memref<1x1x128xi32, #tpu.memory_space<vmem>> -> memref<128xi32, #tpu.memory_space<vmem>>
      %dma_start3A_37 = arith.constant 0 : i32
      %dma_start3A_38 = arith.constant 0 : i32
      %dma_start3A_39 = tpu.memref_slice %arg2[%dma_start3A_37, %dma_start3A_38] : memref<10000x128xf32, #tpu.memory_space<hbm>> -> memref<10000x128xf32, #tpu.memory_space<hbm>>
      tpu.enqueue_indirect_dma source(%dma_start3A_39 : memref<10000x128xf32, #tpu.memory_space<hbm>>) target(%arg6 : memref<128x128xf32, #tpu.memory_space<vmem>>) offsets(%dma_start3A_36 : memref<128xi32, #tpu.memory_space<vmem>>) semaphore(%arg9 : memref<!tpu.dma_semaphore, #tpu.memory_space<semaphore_mem>>)
      %scan3A_40 = arith.constant 0 : i32
      %scan3A_41 = arith.constant 19 : i32
      %scan3A_42 = arith.addi %scan3A_40, %scan3A_41 : i32
      %scan3A_43 = arith.constant 1 : i32
      scf.for %scan3A_71 = %scan3A_40 to %scan3A_42 step %scan3A_43  : i32 {
        %mul3A_72 = arith.constant 2 : i32
        %mul3A_73 = arith.muli %scan3A_71, %mul3A_72 : i32
        %add3A_74 = arith.constant 0 : i32
        %add3A_75 = arith.addi %add3A_74, %mul3A_73 : i32
        %add3A_76 = arith.constant 1 : i32
        %add3A_77 = arith.addi %add3A_75, %add3A_76 : i32
        %dma_start3A_78 = arith.constant 0 : i32
        %dma_start3A_79 = arith.constant 0 : i32
        %dma_start3A_80 = tpu.memref_slice %arg5[%add3A_77, %dma_start3A_78, %dma_start3A_79] : memref<40x2x128xi32, #tpu.memory_space<vmem>> -> memref<1x1x128xi32, #tpu.memory_space<vmem>>
        %dma_start3A_81 = tpu.memref_squeeze %dma_start3A_80 : memref<1x1x128xi32, #tpu.memory_space<vmem>> -> memref<128xi32, #tpu.memory_space<vmem>>
        %dma_start3A_82 = arith.constant 0 : i32
        %dma_start3A_83 = arith.constant 0 : i32
        %dma_start3A_84 = tpu.memref_slice %arg2[%dma_start3A_82, %dma_start3A_83] : memref<10000x128xf32, #tpu.memory_space<hbm>> -> memref<10000x128xf32, #tpu.memory_space<hbm>>
        tpu.enqueue_indirect_dma source(%dma_start3A_84 : memref<10000x128xf32, #tpu.memory_space<hbm>>) target(%arg7 : memref<128x128xf32, #tpu.memory_space<vmem>>) offsets(%dma_start3A_81 : memref<128xi32, #tpu.memory_space<vmem>>) semaphore(%arg10 : memref<!tpu.dma_semaphore, #tpu.memory_space<semaphore_mem>>)
        %dma_wait3A_85 = arith.constant 0 : i32
        %dma_wait3A_86 = arith.constant 0 : i32
        %dma_wait3A_87 = tpu.memref_slice %arg5[%add3A_75, %dma_wait3A_85, %dma_wait3A_86] : memref<40x2x128xi32, #tpu.memory_space<vmem>> -> memref<1x1x128xi32, #tpu.memory_space<vmem>>
        %dma_wait3A_88 = tpu.memref_squeeze %dma_wait3A_87 : memref<1x1x128xi32, #tpu.memory_space<vmem>> -> memref<128xi32, #tpu.memory_space<vmem>>
        %dma_wait3A_89 = arith.constant 0 : i32
        %dma_wait3A_90 = arith.constant 0 : i32
        %dma_wait3A_91 = tpu.memref_slice %arg2[%dma_wait3A_89, %dma_wait3A_90] : memref<10000x128xf32, #tpu.memory_space<hbm>> -> memref<10000x128xf32, #tpu.memory_space<hbm>>
        tpu.wait_indirect_dma semaphore(%arg9 : memref<!tpu.dma_semaphore, #tpu.memory_space<semaphore_mem>>) src(%dma_wait3A_91 : memref<10000x128xf32, #tpu.memory_space<hbm>>) dst(%arg6 : memref<128x128xf32, #tpu.memory_space<vmem>>)
        %run_scoped3A_92 = arith.constant 1 : i32
        "tpu.region"() ({
          %run_scoped3A_114 = tpu.sem_alloc : memref<!tpu.dma_semaphore, #tpu.memory_space<semaphore_mem>>
          %dma_start3A_115 = arith.constant 0 : i32
          %dma_start3A_116 = tpu.memref_slice %arg5[%add3A_75, %run_scoped3A_92, %dma_start3A_115] : memref<40x2x128xi32, #tpu.memory_space<vmem>> -> memref<1x1x128xi32, #tpu.memory_space<vmem>>
          %dma_start3A_117 = tpu.memref_squeeze %dma_start3A_116 : memref<1x1x128xi32, #tpu.memory_space<vmem>> -> memref<128xi32, #tpu.memory_space<vmem>>
          %dma_start3A_118 = arith.constant 0 : i32
          %dma_start3A_119 = arith.constant 0 : i32
          %dma_start3A_120 = tpu.memref_slice %arg8[%dma_start3A_118, %dma_start3A_119] : memref<10240x128xf32, #tpu.memory_space<vmem_shared>> -> memref<10240x128xf32, #tpu.memory_space<vmem_shared>>
          tpu.enqueue_indirect_dma source(%arg6 : memref<128x128xf32, #tpu.memory_space<vmem>>) target(%dma_start3A_120 : memref<10240x128xf32, #tpu.memory_space<vmem_shared>>) offsets(%dma_start3A_117 : memref<128xi32, #tpu.memory_space<vmem>>) semaphore(%run_scoped3A_114 : memref<!tpu.dma_semaphore, #tpu.memory_space<semaphore_mem>>) {add = true}
          %dma_wait3A_121 = arith.constant 0 : i32
          %dma_wait3A_122 = tpu.memref_slice %arg5[%add3A_75, %run_scoped3A_92, %dma_wait3A_121] : memref<40x2x128xi32, #tpu.memory_space<vmem>> -> memref<1x1x128xi32, #tpu.memory_space<vmem>>
          %dma_wait3A_123 = tpu.memref_squeeze %dma_wait3A_122 : memref<1x1x128xi32, #tpu.memory_space<vmem>> -> memref<128xi32, #tpu.memory_space<vmem>>
          %dma_wait3A_124 = arith.constant 0 : i32
          %dma_wait3A_125 = arith.constant 0 : i32
          %dma_wait3A_126 = tpu.memref_slice %arg8[%dma_wait3A_124, %dma_wait3A_125] : memref<10240x128xf32, #tpu.memory_space<vmem_shared>> -> memref<10240x128xf32, #tpu.memory_space<vmem_shared>>
          tpu.wait_indirect_dma semaphore(%run_scoped3A_114 : memref<!tpu.dma_semaphore, #tpu.memory_space<semaphore_mem>>) src(%arg6 : memref<128x128xf32, #tpu.memory_space<vmem>>) dst(%dma_wait3A_126 : memref<10240x128xf32, #tpu.memory_space<vmem_shared>>)
          tpu.yield
        }) : () -> ()
        %add3A_93 = arith.constant 2 : i32
        %add3A_94 = arith.addi %add3A_75, %add3A_93 : i32
        %dma_start3A_95 = arith.constant 0 : i32
        %dma_start3A_96 = arith.constant 0 : i32
        %dma_start3A_97 = tpu.memref_slice %arg5[%add3A_94, %dma_start3A_95, %dma_start3A_96] : memref<40x2x128xi32, #tpu.memory_space<vmem>> -> memref<1x1x128xi32, #tpu.memory_space<vmem>>
        %dma_start3A_98 = tpu.memref_squeeze %dma_start3A_97 : memref<1x1x128xi32, #tpu.memory_space<vmem>> -> memref<128xi32, #tpu.memory_space<vmem>>
        %dma_start3A_99 = arith.constant 0 : i32
        %dma_start3A_100 = arith.constant 0 : i32
        %dma_start3A_101 = tpu.memref_slice %arg2[%dma_start3A_99, %dma_start3A_100] : memref<10000x128xf32, #tpu.memory_space<hbm>> -> memref<10000x128xf32, #tpu.memory_space<hbm>>
        tpu.enqueue_indirect_dma source(%dma_start3A_101 : memref<10000x128xf32, #tpu.memory_space<hbm>>) target(%arg6 : memref<128x128xf32, #tpu.memory_space<vmem>>) offsets(%dma_start3A_98 : memref<128xi32, #tpu.memory_space<vmem>>) semaphore(%arg9 : memref<!tpu.dma_semaphore, #tpu.memory_space<semaphore_mem>>)
        %add3A_102 = arith.constant 1 : i32
        %add3A_103 = arith.addi %add3A_75, %add3A_102 : i32
        %dma_wait3A_104 = arith.constant 0 : i32
        %dma_wait3A_105 = arith.constant 0 : i32
        %dma_wait3A_106 = tpu.memref_slice %arg5[%add3A_103, %dma_wait3A_104, %dma_wait3A_105] : memref<40x2x128xi32, #tpu.memory_space<vmem>> -> memref<1x1x128xi32, #tpu.memory_space<vmem>>
        %dma_wait3A_107 = tpu.memref_squeeze %dma_wait3A_106 : memref<1x1x128xi32, #tpu.memory_space<vmem>> -> memref<128xi32, #tpu.memory_space<vmem>>
        %dma_wait3A_108 = arith.constant 0 : i32
        %dma_wait3A_109 = arith.constant 0 : i32
        %dma_wait3A_110 = tpu.memref_slice %arg2[%dma_wait3A_108, %dma_wait3A_109] : memref<10000x128xf32, #tpu.memory_space<hbm>> -> memref<10000x128xf32, #tpu.memory_space<hbm>>
        tpu.wait_indirect_dma semaphore(%arg10 : memref<!tpu.dma_semaphore, #tpu.memory_space<semaphore_mem>>) src(%dma_wait3A_110 : memref<10000x128xf32, #tpu.memory_space<hbm>>) dst(%arg7 : memref<128x128xf32, #tpu.memory_space<vmem>>)
        %add3A_111 = arith.constant 1 : i32
        %add3A_112 = arith.addi %add3A_75, %add3A_111 : i32
        %run_scoped3A_113 = arith.constant 1 : i32
        "tpu.region"() ({
          %run_scoped3A_114 = tpu.sem_alloc : memref<!tpu.dma_semaphore, #tpu.memory_space<semaphore_mem>>
          %dma_start3A_115 = arith.constant 0 : i32
          %dma_start3A_116 = tpu.memref_slice %arg5[%add3A_112, %run_scoped3A_113, %dma_start3A_115] : memref<40x2x128xi32, #tpu.memory_space<vmem>> -> memref<1x1x128xi32, #tpu.memory_space<vmem>>
          %dma_start3A_117 = tpu.memref_squeeze %dma_start3A_116 : memref<1x1x128xi32, #tpu.memory_space<vmem>> -> memref<128xi32, #tpu.memory_space<vmem>>
          %dma_start3A_118 = arith.constant 0 : i32
          %dma_start3A_119 = arith.constant 0 : i32
          %dma_start3A_120 = tpu.memref_slice %arg8[%dma_start3A_118, %dma_start3A_119] : memref<10240x128xf32, #tpu.memory_space<vmem_shared>> -> memref<10240x128xf32, #tpu.memory_space<vmem_shared>>
          tpu.enqueue_indirect_dma source(%arg7 : memref<128x128xf32, #tpu.memory_space<vmem>>) target(%dma_start3A_120 : memref<10240x128xf32, #tpu.memory_space<vmem_shared>>) offsets(%dma_start3A_117 : memref<128xi32, #tpu.memory_space<vmem>>) semaphore(%run_scoped3A_114 : memref<!tpu.dma_semaphore, #tpu.memory_space<semaphore_mem>>) {add = true}
          %dma_wait3A_121 = arith.constant 0 : i32
          %dma_wait3A_122 = tpu.memref_slice %arg5[%add3A_112, %run_scoped3A_113, %dma_wait3A_121] : memref<40x2x128xi32, #tpu.memory_space<vmem>> -> memref<1x1x128xi32, #tpu.memory_space<vmem>>
          %dma_wait3A_123 = tpu.memref_squeeze %dma_wait3A_122 : memref<1x1x128xi32, #tpu.memory_space<vmem>> -> memref<128xi32, #tpu.memory_space<vmem>>
          %dma_wait3A_124 = arith.constant 0 : i32
          %dma_wait3A_125 = arith.constant 0 : i32
          %dma_wait3A_126 = tpu.memref_slice %arg8[%dma_wait3A_124, %dma_wait3A_125] : memref<10240x128xf32, #tpu.memory_space<vmem_shared>> -> memref<10240x128xf32, #tpu.memory_space<vmem_shared>>
          tpu.wait_indirect_dma semaphore(%run_scoped3A_114 : memref<!tpu.dma_semaphore, #tpu.memory_space<semaphore_mem>>) src(%arg7 : memref<128x128xf32, #tpu.memory_space<vmem>>) dst(%dma_wait3A_126 : memref<10240x128xf32, #tpu.memory_space<vmem_shared>>)
          tpu.yield
        }) : () -> ()
      }
      %scan3A_44 = arith.constant 19 : i32
      %dma_start3A_45 = arith.constant 39 : i32
      %dma_start3A_46 = arith.constant 0 : i32
      %dma_start3A_47 = arith.constant 0 : i32
      %dma_start3A_48 = tpu.memref_slice %arg5[%dma_start3A_45, %dma_start3A_46, %dma_start3A_47] : memref<40x2x128xi32, #tpu.memory_space<vmem>> -> memref<1x1x128xi32, #tpu.memory_space<vmem>>
      %dma_start3A_49 = tpu.memref_squeeze %dma_start3A_48 : memref<1x1x128xi32, #tpu.memory_space<vmem>> -> memref<128xi32, #tpu.memory_space<vmem>>
      %dma_start3A_50 = arith.constant 0 : i32
      %dma_start3A_51 = arith.constant 0 : i32
      %dma_start3A_52 = tpu.memref_slice %arg2[%dma_start3A_50, %dma_start3A_51] : memref<10000x128xf32, #tpu.memory_space<hbm>> -> memref<10000x128xf32, #tpu.memory_space<hbm>>
      tpu.enqueue_indirect_dma source(%dma_start3A_52 : memref<10000x128xf32, #tpu.memory_space<hbm>>) target(%arg7 : memref<128x128xf32, #tpu.memory_space<vmem>>) offsets(%dma_start3A_49 : memref<128xi32, #tpu.memory_space<vmem>>) semaphore(%arg10 : memref<!tpu.dma_semaphore, #tpu.memory_space<semaphore_mem>>)
      %dma_wait3A = arith.constant 38 : i32
      %dma_wait3A_53 = arith.constant 0 : i32
      %dma_wait3A_54 = arith.constant 0 : i32
      %dma_wait3A_55 = tpu.memref_slice %arg5[%dma_wait3A, %dma_wait3A_53, %dma_wait3A_54] : memref<40x2x128xi32, #tpu.memory_space<vmem>> -> memref<1x1x128xi32, #tpu.memory_space<vmem>>
      %dma_wait3A_56 = tpu.memref_squeeze %dma_wait3A_55 : memref<1x1x128xi32, #tpu.memory_space<vmem>> -> memref<128xi32, #tpu.memory_space<vmem>>
      %dma_wait3A_57 = arith.constant 0 : i32
      %dma_wait3A_58 = arith.constant 0 : i32
      %dma_wait3A_59 = tpu.memref_slice %arg2[%dma_wait3A_57, %dma_wait3A_58] : memref<10000x128xf32, #tpu.memory_space<hbm>> -> memref<10000x128xf32, #tpu.memory_space<hbm>>
      tpu.wait_indirect_dma semaphore(%arg9 : memref<!tpu.dma_semaphore, #tpu.memory_space<semaphore_mem>>) src(%dma_wait3A_59 : memref<10000x128xf32, #tpu.memory_space<hbm>>) dst(%arg6 : memref<128x128xf32, #tpu.memory_space<vmem>>)
      %run_scoped3A = arith.constant 38 : i32
      %run_scoped3A_60 = arith.constant 1 : i32
      "tpu.region"() ({
        %run_scoped3A_71 = tpu.sem_alloc : memref<!tpu.dma_semaphore, #tpu.memory_space<semaphore_mem>>
        %dma_start3A_72 = arith.constant 0 : i32
        %dma_start3A_73 = tpu.memref_slice %arg5[%run_scoped3A, %run_scoped3A_60, %dma_start3A_72] : memref<40x2x128xi32, #tpu.memory_space<vmem>> -> memref<1x1x128xi32, #tpu.memory_space<vmem>>
        %dma_start3A_74 = tpu.memref_squeeze %dma_start3A_73 : memref<1x1x128xi32, #tpu.memory_space<vmem>> -> memref<128xi32, #tpu.memory_space<vmem>>
        %dma_start3A_75 = arith.constant 0 : i32
        %dma_start3A_76 = arith.constant 0 : i32
        %dma_start3A_77 = tpu.memref_slice %arg8[%dma_start3A_75, %dma_start3A_76] : memref<10240x128xf32, #tpu.memory_space<vmem_shared>> -> memref<10240x128xf32, #tpu.memory_space<vmem_shared>>
        tpu.enqueue_indirect_dma source(%arg6 : memref<128x128xf32, #tpu.memory_space<vmem>>) target(%dma_start3A_77 : memref<10240x128xf32, #tpu.memory_space<vmem_shared>>) offsets(%dma_start3A_74 : memref<128xi32, #tpu.memory_space<vmem>>) semaphore(%run_scoped3A_71 : memref<!tpu.dma_semaphore, #tpu.memory_space<semaphore_mem>>) {add = true}
        %dma_wait3A_78 = arith.constant 0 : i32
        %dma_wait3A_79 = tpu.memref_slice %arg5[%run_scoped3A, %run_scoped3A_60, %dma_wait3A_78] : memref<40x2x128xi32, #tpu.memory_space<vmem>> -> memref<1x1x128xi32, #tpu.memory_space<vmem>>
        %dma_wait3A_80 = tpu.memref_squeeze %dma_wait3A_79 : memref<1x1x128xi32, #tpu.memory_space<vmem>> -> memref<128xi32, #tpu.memory_space<vmem>>
        %dma_wait3A_81 = arith.constant 0 : i32
        %dma_wait3A_82 = arith.constant 0 : i32
        %dma_wait3A_83 = tpu.memref_slice %arg8[%dma_wait3A_81, %dma_wait3A_82] : memref<10240x128xf32, #tpu.memory_space<vmem_shared>> -> memref<10240x128xf32, #tpu.memory_space<vmem_shared>>
        tpu.wait_indirect_dma semaphore(%run_scoped3A_71 : memref<!tpu.dma_semaphore, #tpu.memory_space<semaphore_mem>>) src(%arg6 : memref<128x128xf32, #tpu.memory_space<vmem>>) dst(%dma_wait3A_83 : memref<10240x128xf32, #tpu.memory_space<vmem_shared>>)
        tpu.yield
      }) : () -> ()
      %dma_wait3A_61 = arith.constant 39 : i32
      %dma_wait3A_62 = arith.constant 0 : i32
      %dma_wait3A_63 = arith.constant 0 : i32
      %dma_wait3A_64 = tpu.memref_slice %arg5[%dma_wait3A_61, %dma_wait3A_62, %dma_wait3A_63] : memref<40x2x128xi32, #tpu.memory_space<vmem>> -> memref<1x1x128xi32, #tpu.memory_space<vmem>>
      %dma_wait3A_65 = tpu.memref_squeeze %dma_wait3A_64 : memref<1x1x128xi32, #tpu.memory_space<vmem>> -> memref<128xi32, #tpu.memory_space<vmem>>
      %dma_wait3A_66 = arith.constant 0 : i32
      %dma_wait3A_67 = arith.constant 0 : i32
      %dma_wait3A_68 = tpu.memref_slice %arg2[%dma_wait3A_66, %dma_wait3A_67] : memref<10000x128xf32, #tpu.memory_space<hbm>> -> memref<10000x128xf32, #tpu.memory_space<hbm>>
      tpu.wait_indirect_dma semaphore(%arg10 : memref<!tpu.dma_semaphore, #tpu.memory_space<semaphore_mem>>) src(%dma_wait3A_68 : memref<10000x128xf32, #tpu.memory_space<hbm>>) dst(%arg7 : memref<128x128xf32, #tpu.memory_space<vmem>>)
      %run_scoped3A_69 = arith.constant 39 : i32
      %run_scoped3A_70 = arith.constant 1 : i32
      "tpu.region"() ({
        %run_scoped3A_71 = tpu.sem_alloc : memref<!tpu.dma_semaphore, #tpu.memory_space<semaphore_mem>>
        %dma_start3A_72 = arith.constant 0 : i32
        %dma_start3A_73 = tpu.memref_slice %arg5[%run_scoped3A_69, %run_scoped3A_70, %dma_start3A_72] : memref<40x2x128xi32, #tpu.memory_space<vmem>> -> memref<1x1x128xi32, #tpu.memory_space<vmem>>
        %dma_start3A_74 = tpu.memref_squeeze %dma_start3A_73 : memref<1x1x128xi32, #tpu.memory_space<vmem>> -> memref<128xi32, #tpu.memory_space<vmem>>
        %dma_start3A_75 = arith.constant 0 : i32
        %dma_start3A_76 = arith.constant 0 : i32
        %dma_start3A_77 = tpu.memref_slice %arg8[%dma_start3A_75, %dma_start3A_76] : memref<10240x128xf32, #tpu.memory_space<vmem_shared>> -> memref<10240x128xf32, #tpu.memory_space<vmem_shared>>
        tpu.enqueue_indirect_dma source(%arg7 : memref<128x128xf32, #tpu.memory_space<vmem>>) target(%dma_start3A_77 : memref<10240x128xf32, #tpu.memory_space<vmem_shared>>) offsets(%dma_start3A_74 : memref<128xi32, #tpu.memory_space<vmem>>) semaphore(%run_scoped3A_71 : memref<!tpu.dma_semaphore, #tpu.memory_space<semaphore_mem>>) {add = true}
        %dma_wait3A_78 = arith.constant 0 : i32
        %dma_wait3A_79 = tpu.memref_slice %arg5[%run_scoped3A_69, %run_scoped3A_70, %dma_wait3A_78] : memref<40x2x128xi32, #tpu.memory_space<vmem>> -> memref<1x1x128xi32, #tpu.memory_space<vmem>>
        %dma_wait3A_80 = tpu.memref_squeeze %dma_wait3A_79 : memref<1x1x128xi32, #tpu.memory_space<vmem>> -> memref<128xi32, #tpu.memory_space<vmem>>
        %dma_wait3A_81 = arith.constant 0 : i32
        %dma_wait3A_82 = arith.constant 0 : i32
        %dma_wait3A_83 = tpu.memref_slice %arg8[%dma_wait3A_81, %dma_wait3A_82] : memref<10240x128xf32, #tpu.memory_space<vmem_shared>> -> memref<10240x128xf32, #tpu.memory_space<vmem_shared>>
        tpu.wait_indirect_dma semaphore(%run_scoped3A_71 : memref<!tpu.dma_semaphore, #tpu.memory_space<semaphore_mem>>) src(%arg7 : memref<128x128xf32, #tpu.memory_space<vmem>>) dst(%dma_wait3A_83 : memref<10240x128xf32, #tpu.memory_space<vmem_shared>>)
        tpu.yield
      }) : () -> ()
    }
    %scan3A_16 = arith.constant 2 : i32
    %barrier3A_17 = arith.constant 0 : index
    tpu.barrier barrier_id(%barrier3A_17)
    %mul3A_18 = arith.constant 640 : i32
    %mul3A_19 = arith.muli %arg1, %mul3A_18 : i32
    "tpu.region"() ({
      %run_scoped3A = tpu.sem_alloc : memref<!tpu.dma_semaphore, #tpu.memory_space<semaphore_mem>>
      %dma_start3A = arith.constant 0 : i32
      %dma_start3A_25 = tpu.memref_slice %arg8[%mul3A_19, %dma_start3A] : memref<10240x128xf32, #tpu.memory_space<vmem_shared>> -> memref<128x128xf32, #tpu.memory_space<vmem_shared>>
      %dma_start3A_26 = arith.constant 0 : i32
      %dma_start3A_27 = tpu.memref_slice %arg8[%mul3A_19, %dma_start3A_26] : memref<10240x128xf32, #tpu.memory_space<vmem_shared>> -> memref<128x128xf32, #tpu.memory_space<vmem_shared>>
      tpu.enqueue_dma source(%dma_start3A_27 : memref<128x128xf32, #tpu.memory_space<vmem_shared>>) target(%arg6 : memref<128x128xf32, #tpu.memory_space<vmem>>) target_semaphore(%run_scoped3A : memref<!tpu.dma_semaphore, #tpu.memory_space<semaphore_mem>>)
      %dma_wait3A = arith.constant 0 : i32
      %dma_wait3A_28 = tpu.memref_slice %arg8[%mul3A_19, %dma_wait3A] : memref<10240x128xf32, #tpu.memory_space<vmem_shared>> -> memref<128x128xf32, #tpu.memory_space<vmem_shared>>
      %dma_wait3A_29 = arith.constant 0 : i32
      %dma_wait3A_30 = tpu.memref_slice %arg8[%mul3A_19, %dma_wait3A_29] : memref<10240x128xf32, #tpu.memory_space<vmem_shared>> -> memref<128x128xf32, #tpu.memory_space<vmem_shared>>
      tpu.wait_dma2 semaphore(%run_scoped3A : memref<!tpu.dma_semaphore, #tpu.memory_space<semaphore_mem>>) src(%dma_wait3A_30 : memref<128x128xf32, #tpu.memory_space<vmem_shared>>) dst(%arg6 : memref<128x128xf32, #tpu.memory_space<vmem>>)
      tpu.yield
    }) : () -> ()
    %barrier3A_20 = arith.constant 0 : index
    tpu.barrier barrier_id(%barrier3A_20)
    %mul3A_21 = arith.constant 640 : i32
    %mul3A_22 = arith.muli %arg1, %mul3A_21 : i32
    %mul3A_23 = arith.constant 640 : i32
    %mul3A_24 = arith.muli %arg1, %mul3A_23 : i32
    "tpu.region"() ({
      %run_scoped3A = tpu.sem_alloc : memref<!tpu.dma_semaphore, #tpu.memory_space<semaphore_mem>>
      %dma_start3A = arith.constant 0 : i32
      %dma_start3A_25 = arith.constant 0 : i32
      %dma_start3A_26 = tpu.memref_slice %arg4[%arg0, %dma_start3A, %dma_start3A_25] : memref<2x10240x128xf32, #tpu.memory_space<hbm>> -> memref<1x10240x128xf32, #tpu.memory_space<hbm>>
      %dma_start3A_27 = tpu.memref_squeeze %dma_start3A_26 : memref<1x10240x128xf32, #tpu.memory_space<hbm>> -> memref<10240x128xf32, #tpu.memory_space<hbm>>
      %dma_start3A_28 = arith.constant 0 : i32
      %dma_start3A_29 = tpu.memref_slice %dma_start3A_27[%mul3A_24, %dma_start3A_28] : memref<10240x128xf32, #tpu.memory_space<hbm>> -> memref<640x128xf32, #tpu.memory_space<hbm>>
      %dma_start3A_30 = arith.constant 0 : i32
      %dma_start3A_31 = tpu.memref_slice %arg8[%mul3A_22, %dma_start3A_30] : memref<10240x128xf32, #tpu.memory_space<vmem_shared>> -> memref<640x128xf32, #tpu.memory_space<vmem_shared>>
      tpu.enqueue_dma source(%dma_start3A_31 : memref<640x128xf32, #tpu.memory_space<vmem_shared>>) target(%dma_start3A_29 : memref<640x128xf32, #tpu.memory_space<hbm>>) target_semaphore(%run_scoped3A : memref<!tpu.dma_semaphore, #tpu.memory_space<semaphore_mem>>)
      %dma_wait3A = arith.constant 0 : i32
      %dma_wait3A_32 = arith.constant 0 : i32
      %dma_wait3A_33 = tpu.memref_slice %arg4[%arg0, %dma_wait3A, %dma_wait3A_32] : memref<2x10240x128xf32, #tpu.memory_space<hbm>> -> memref<1x10240x128xf32, #tpu.memory_space<hbm>>
      %dma_wait3A_34 = tpu.memref_squeeze %dma_wait3A_33 : memref<1x10240x128xf32, #tpu.memory_space<hbm>> -> memref<10240x128xf32, #tpu.memory_space<hbm>>
      %dma_wait3A_35 = arith.constant 0 : i32
      %dma_wait3A_36 = tpu.memref_slice %dma_wait3A_34[%mul3A_24, %dma_wait3A_35] : memref<10240x128xf32, #tpu.memory_space<hbm>> -> memref<640x128xf32, #tpu.memory_space<hbm>>
      %dma_wait3A_37 = arith.constant 0 : i32
      %dma_wait3A_38 = tpu.memref_slice %arg8[%mul3A_22, %dma_wait3A_37] : memref<10240x128xf32, #tpu.memory_space<vmem_shared>> -> memref<640x128xf32, #tpu.memory_space<vmem_shared>>
      tpu.wait_dma2 semaphore(%run_scoped3A : memref<!tpu.dma_semaphore, #tpu.memory_space<semaphore_mem>>) src(%dma_wait3A_38 : memref<640x128xf32, #tpu.memory_space<vmem_shared>>) dst(%dma_wait3A_36 : memref<640x128xf32, #tpu.memory_space<hbm>>)
      tpu.yield
    }) : () -> ()
    return
  }
}

#map = affine_map<(d0, d1) -> (0, 0, 0)>
module attributes {stable_mosaic.version = 14 : i64} {
  func.func @body(%arg0: i32, %arg1: i32, %arg2: memref<2560x2x128xi32, #tpu.memory_space<hbm>>, %arg3: memref<2x10240x16xf32, #tpu.memory_space<hbm>>, %arg4: memref<80x2x128xi32, #tpu.memory_space<vmem>>, %arg5: memref<128x16xf32, #tpu.memory_space<vmem>>, %arg6: memref<10240x16xf32, #tpu.memory_space<vmem_shared>>) attributes {dimension_semantics = [#tpu.dimension_semantics<core_parallel>, #tpu.dimension_semantics<subcore_parallel>], iteration_bounds = array<i64: 2, 16>, scalar_prefetch = 0 : i64, scratch_operands = 3 : i64, tpu.core_type = #tpu.core_type<sc_vector_subcore>, window_params = [{transform_indices = #map}, {transform_indices = #map}]} {
    %scan3A = arith.constant 0 : i32
    %scan3A_0 = arith.constant 128 : i32
    %scan3A_1 = arith.addi %scan3A, %scan3A_0 : i32
    %scan3A_2 = arith.constant 1 : i32
    scf.for %scan3A_30 = %scan3A to %scan3A_1 step %scan3A_2  : i32 {
      %mul3A_31 = arith.constant 1 : i32
      %mul3A_32 = arith.muli %scan3A_30, %mul3A_31 : i32
      %add3A_33 = arith.constant 0 : i32
      %add3A_34 = arith.addi %add3A_33, %mul3A_32 : i32
      %broadcast_in_dim3A = arith.constant 0.000000e+00 : f32
      %broadcast_in_dim3A_35 = vector.broadcast %broadcast_in_dim3A : f32 to vector<16xf32>
      %swap3A = arith.index_cast %add3A_34 : i32 to index
      %swap3A_36 = arith.constant 0 : index
      %swap3A_37 = tpu.vector_load %arg5[%swap3A, %swap3A_36] {strides = array<i32>} : memref<128x16xf32, #tpu.memory_space<vmem>>, vector<1x16xf32>,
      %swap3A_38 = vector.shape_cast %swap3A_37 : vector<1x16xf32> to vector<16xf32>
      %swap3A_39 = vector.shape_cast %broadcast_in_dim3A_35 : vector<16xf32> to vector<1x16xf32>
      tpu.vector_store %arg5[%swap3A, %swap3A_36], %swap3A_39 {strides = array<i32>} : memref<128x16xf32, #tpu.memory_space<vmem>>, vector<1x16xf32>,
    }
    %scan3A_3 = arith.constant 128 : i32
    %scan3A_4 = arith.constant 0 : i32
    %scan3A_5 = arith.constant 5 : i32
    %scan3A_6 = arith.addi %scan3A_4, %scan3A_5 : i32
    %scan3A_7 = arith.constant 1 : i32
    scf.for %scan3A_30 = %scan3A_4 to %scan3A_6 step %scan3A_7  : i32 {
      %mul3A_31 = arith.constant 128 : i32
      %mul3A_32 = arith.muli %scan3A_30, %mul3A_31 : i32
      %add3A_33 = arith.constant 0 : i32
      %add3A_34 = arith.addi %add3A_33, %mul3A_32 : i32
      %mul3A_35 = arith.constant 640 : i32
      %mul3A_36 = arith.muli %arg1, %mul3A_35 : i32
      %add3A_37 = arith.addi %mul3A_36, %add3A_34 : i32
      "tpu.region"() ({
        %run_scoped3A = tpu.sem_alloc : memref<!tpu.dma_semaphore, #tpu.memory_space<semaphore_mem>>
        %dma_start3A = arith.constant 0 : i32
        %dma_start3A_38 = tpu.memref_slice %arg6[%add3A_37, %dma_start3A] : memref<10240x16xf32, #tpu.memory_space<vmem_shared>> -> memref<128x16xf32, #tpu.memory_space<vmem_shared>>
        %dma_start3A_39 = arith.constant 0 : i32
        %dma_start3A_40 = tpu.memref_slice %arg6[%add3A_37, %dma_start3A_39] : memref<10240x16xf32, #tpu.memory_space<vmem_shared>> -> memref<128x16xf32, #tpu.memory_space<vmem_shared>>
        tpu.enqueue_dma source(%arg5 : memref<128x16xf32, #tpu.memory_space<vmem>>) target(%dma_start3A_40 : memref<128x16xf32, #tpu.memory_space<vmem_shared>>) target_semaphore(%run_scoped3A : memref<!tpu.dma_semaphore, #tpu.memory_space<semaphore_mem>>)
        %dma_wait3A = arith.constant 0 : i32
        %dma_wait3A_41 = tpu.memref_slice %arg6[%add3A_37, %dma_wait3A] : memref<10240x16xf32, #tpu.memory_space<vmem_shared>> -> memref<128x16xf32, #tpu.memory_space<vmem_shared>>
        %dma_wait3A_42 = arith.constant 0 : i32
        %dma_wait3A_43 = tpu.memref_slice %arg6[%add3A_37, %dma_wait3A_42] : memref<10240x16xf32, #tpu.memory_space<vmem_shared>> -> memref<128x16xf32, #tpu.memory_space<vmem_shared>>
        tpu.wait_dma2 semaphore(%run_scoped3A : memref<!tpu.dma_semaphore, #tpu.memory_space<semaphore_mem>>) src(%arg5 : memref<128x16xf32, #tpu.memory_space<vmem>>) dst(%dma_wait3A_43 : memref<128x16xf32, #tpu.memory_space<vmem_shared>>)
        tpu.yield
      }) : () -> ()
    }
    %scan3A_8 = arith.constant 5 : i32
    %mul3A = arith.constant 16 : i32
    %mul3A_9 = arith.muli %arg0, %mul3A : i32
    %add3A = arith.addi %mul3A_9, %arg1 : i32
    %mul3A_10 = arith.constant 80 : i32
    %mul3A_11 = arith.muli %add3A, %mul3A_10 : i32
    "tpu.region"() ({
      %run_scoped3A = tpu.sem_alloc : memref<!tpu.dma_semaphore, #tpu.memory_space<semaphore_mem>>
      %dma_start3A = arith.constant 0 : i32
      %dma_start3A_30 = arith.constant 0 : i32
      %dma_start3A_31 = tpu.memref_slice %arg2[%mul3A_11, %dma_start3A, %dma_start3A_30] : memref<2560x2x128xi32, #tpu.memory_space<hbm>> -> memref<80x2x128xi32, #tpu.memory_space<hbm>>
      %dma_start3A_32 = arith.constant 0 : i32
      %dma_start3A_33 = arith.constant 0 : i32
      %dma_start3A_34 = tpu.memref_slice %arg2[%mul3A_11, %dma_start3A_32, %dma_start3A_33] : memref<2560x2x128xi32, #tpu.memory_space<hbm>> -> memref<80x2x128xi32, #tpu.memory_space<hbm>>
      tpu.enqueue_dma source(%dma_start3A_34 : memref<80x2x128xi32, #tpu.memory_space<hbm>>) target(%arg4 : memref<80x2x128xi32, #tpu.memory_space<vmem>>) target_semaphore(%run_scoped3A : memref<!tpu.dma_semaphore, #tpu.memory_space<semaphore_mem>>)
      %dma_wait3A = arith.constant 0 : i32
      %dma_wait3A_35 = arith.constant 0 : i32
      %dma_wait3A_36 = tpu.memref_slice %arg2[%mul3A_11, %dma_wait3A, %dma_wait3A_35] : memref<2560x2x128xi32, #tpu.memory_space<hbm>> -> memref<80x2x128xi32, #tpu.memory_space<hbm>>
      %dma_wait3A_37 = arith.constant 0 : i32
      %dma_wait3A_38 = arith.constant 0 : i32
      %dma_wait3A_39 = tpu.memref_slice %arg2[%mul3A_11, %dma_wait3A_37, %dma_wait3A_38] : memref<2560x2x128xi32, #tpu.memory_space<hbm>> -> memref<80x2x128xi32, #tpu.memory_space<hbm>>
      tpu.wait_dma2 semaphore(%run_scoped3A : memref<!tpu.dma_semaphore, #tpu.memory_space<semaphore_mem>>) src(%dma_wait3A_39 : memref<80x2x128xi32, #tpu.memory_space<hbm>>) dst(%arg4 : memref<80x2x128xi32, #tpu.memory_space<vmem>>)
      tpu.yield
    }) : () -> ()
    %scan3A_12 = arith.constant 0 : i32
    %scan3A_13 = arith.constant 128 : i32
    %scan3A_14 = arith.addi %scan3A_12, %scan3A_13 : i32
    %scan3A_15 = arith.constant 1 : i32
    scf.for %scan3A_30 = %scan3A_12 to %scan3A_14 step %scan3A_15  : i32 {
      %mul3A_31 = arith.constant 1 : i32
      %mul3A_32 = arith.muli %scan3A_30, %mul3A_31 : i32
      %add3A_33 = arith.constant 0 : i32
      %add3A_34 = arith.addi %add3A_33, %mul3A_32 : i32
      %broadcast_in_dim3A = arith.constant 1.000000e+00 : f32
      %broadcast_in_dim3A_35 = vector.broadcast %broadcast_in_dim3A : f32 to vector<16xf32>
      %swap3A = arith.index_cast %add3A_34 : i32 to index
      %swap3A_36 = arith.constant 0 : index
      %swap3A_37 = tpu.vector_load %arg5[%swap3A, %swap3A_36] {strides = array<i32>} : memref<128x16xf32, #tpu.memory_space<vmem>>, vector<1x16xf32>,
      %swap3A_38 = vector.shape_cast %swap3A_37 : vector<1x16xf32> to vector<16xf32>
      %swap3A_39 = vector.shape_cast %broadcast_in_dim3A_35 : vector<16xf32> to vector<1x16xf32>
      tpu.vector_store %arg5[%swap3A, %swap3A_36], %swap3A_39 {strides = array<i32>} : memref<128x16xf32, #tpu.memory_space<vmem>>, vector<1x16xf32>,
    }
    %scan3A_16 = arith.constant 128 : i32
    %barrier3A = arith.constant 0 : index
    tpu.barrier barrier_id(%barrier3A)
    %scan3A_17 = arith.constant 0 : i32
    %scan3A_18 = arith.constant 80 : i32
    %scan3A_19 = arith.addi %scan3A_17, %scan3A_18 : i32
    %scan3A_20 = arith.constant 1 : i32
    scf.for %scan3A_30 = %scan3A_17 to %scan3A_19 step %scan3A_20  : i32 {
      %mul3A_31 = arith.constant 1 : i32
      %mul3A_32 = arith.muli %scan3A_30, %mul3A_31 : i32
      %add3A_33 = arith.constant 0 : i32
      %add3A_34 = arith.addi %add3A_33, %mul3A_32 : i32
      %run_scoped3A = arith.constant 1 : i32
      "tpu.region"() ({
        %run_scoped3A_35 = tpu.sem_alloc : memref<!tpu.dma_semaphore, #tpu.memory_space<semaphore_mem>>
        %dma_start3A = arith.constant 0 : i32
        %dma_start3A_36 = tpu.memref_slice %arg4[%add3A_34, %run_scoped3A, %dma_start3A] : memref<80x2x128xi32, #tpu.memory_space<vmem>> -> memref<1x1x128xi32, #tpu.memory_space<vmem>>
        %dma_start3A_37 = tpu.memref_squeeze %dma_start3A_36 : memref<1x1x128xi32, #tpu.memory_space<vmem>> -> memref<128xi32, #tpu.memory_space<vmem>>
        %dma_start3A_38 = arith.constant 0 : i32
        %dma_start3A_39 = arith.constant 0 : i32
        %dma_start3A_40 = tpu.memref_slice %arg6[%dma_start3A_38, %dma_start3A_39] : memref<10240x16xf32, #tpu.memory_space<vmem_shared>> -> memref<10240x16xf32, #tpu.memory_space<vmem_shared>>
        tpu.enqueue_indirect_dma source(%arg5 : memref<128x16xf32, #tpu.memory_space<vmem>>) target(%dma_start3A_40 : memref<10240x16xf32, #tpu.memory_space<vmem_shared>>) offsets(%dma_start3A_37 : memref<128xi32, #tpu.memory_space<vmem>>) semaphore(%run_scoped3A_35 : memref<!tpu.dma_semaphore, #tpu.memory_space<semaphore_mem>>) {add = true}
        %dma_wait3A = arith.constant 0 : i32
        %dma_wait3A_41 = tpu.memref_slice %arg4[%add3A_34, %run_scoped3A, %dma_wait3A] : memref<80x2x128xi32, #tpu.memory_space<vmem>> -> memref<1x1x128xi32, #tpu.memory_space<vmem>>
        %dma_wait3A_42 = tpu.memref_squeeze %dma_wait3A_41 : memref<1x1x128xi32, #tpu.memory_space<vmem>> -> memref<128xi32, #tpu.memory_space<vmem>>
        %dma_wait3A_43 = arith.constant 0 : i32
        %dma_wait3A_44 = arith.constant 0 : i32
        %dma_wait3A_45 = tpu.memref_slice %arg6[%dma_wait3A_43, %dma_wait3A_44] : memref<10240x16xf32, #tpu.memory_space<vmem_shared>> -> memref<10240x16xf32, #tpu.memory_space<vmem_shared>>
        tpu.wait_indirect_dma semaphore(%run_scoped3A_35 : memref<!tpu.dma_semaphore, #tpu.memory_space<semaphore_mem>>) src(%arg5 : memref<128x16xf32, #tpu.memory_space<vmem>>) dst(%dma_wait3A_45 : memref<10240x16xf32, #tpu.memory_space<vmem_shared>>)
        tpu.yield
      }) : () -> ()
    }
    %scan3A_21 = arith.constant 80 : i32
    %barrier3A_22 = arith.constant 0 : index
    tpu.barrier barrier_id(%barrier3A_22)
    %mul3A_23 = arith.constant 640 : i32
    %mul3A_24 = arith.muli %arg1, %mul3A_23 : i32
    "tpu.region"() ({
      %run_scoped3A = tpu.sem_alloc : memref<!tpu.dma_semaphore, #tpu.memory_space<semaphore_mem>>
      %dma_start3A = arith.constant 0 : i32
      %dma_start3A_30 = tpu.memref_slice %arg6[%mul3A_24, %dma_start3A] : memref<10240x16xf32, #tpu.memory_space<vmem_shared>> -> memref<128x16xf32, #tpu.memory_space<vmem_shared>>
      %dma_start3A_31 = arith.constant 0 : i32
      %dma_start3A_32 = tpu.memref_slice %arg6[%mul3A_24, %dma_start3A_31] : memref<10240x16xf32, #tpu.memory_space<vmem_shared>> -> memref<128x16xf32, #tpu.memory_space<vmem_shared>>
      tpu.enqueue_dma source(%dma_start3A_32 : memref<128x16xf32, #tpu.memory_space<vmem_shared>>) target(%arg5 : memref<128x16xf32, #tpu.memory_space<vmem>>) target_semaphore(%run_scoped3A : memref<!tpu.dma_semaphore, #tpu.memory_space<semaphore_mem>>)
      %dma_wait3A = arith.constant 0 : i32
      %dma_wait3A_33 = tpu.memref_slice %arg6[%mul3A_24, %dma_wait3A] : memref<10240x16xf32, #tpu.memory_space<vmem_shared>> -> memref<128x16xf32, #tpu.memory_space<vmem_shared>>
      %dma_wait3A_34 = arith.constant 0 : i32
      %dma_wait3A_35 = tpu.memref_slice %arg6[%mul3A_24, %dma_wait3A_34] : memref<10240x16xf32, #tpu.memory_space<vmem_shared>> -> memref<128x16xf32, #tpu.memory_space<vmem_shared>>
      tpu.wait_dma2 semaphore(%run_scoped3A : memref<!tpu.dma_semaphore, #tpu.memory_space<semaphore_mem>>) src(%dma_wait3A_35 : memref<128x16xf32, #tpu.memory_space<vmem_shared>>) dst(%arg5 : memref<128x16xf32, #tpu.memory_space<vmem>>)
      tpu.yield
    }) : () -> ()
    %barrier3A_25 = arith.constant 0 : index
    tpu.barrier barrier_id(%barrier3A_25)
    %mul3A_26 = arith.constant 640 : i32
    %mul3A_27 = arith.muli %arg1, %mul3A_26 : i32
    %mul3A_28 = arith.constant 640 : i32
    %mul3A_29 = arith.muli %arg1, %mul3A_28 : i32
    "tpu.region"() ({
      %run_scoped3A = tpu.sem_alloc : memref<!tpu.dma_semaphore, #tpu.memory_space<semaphore_mem>>
      %dma_start3A = arith.constant 0 : i32
      %dma_start3A_30 = arith.constant 0 : i32
      %dma_start3A_31 = tpu.memref_slice %arg3[%arg0, %dma_start3A, %dma_start3A_30] : memref<2x10240x16xf32, #tpu.memory_space<hbm>> -> memref<1x10240x16xf32, #tpu.memory_space<hbm>>
      %dma_start3A_32 = tpu.memref_squeeze %dma_start3A_31 : memref<1x10240x16xf32, #tpu.memory_space<hbm>> -> memref<10240x16xf32, #tpu.memory_space<hbm>>
      %dma_start3A_33 = arith.constant 0 : i32
      %dma_start3A_34 = tpu.memref_slice %dma_start3A_32[%mul3A_29, %dma_start3A_33] : memref<10240x16xf32, #tpu.memory_space<hbm>> -> memref<640x16xf32, #tpu.memory_space<hbm>>
      %dma_start3A_35 = arith.constant 0 : i32
      %dma_start3A_36 = tpu.memref_slice %arg6[%mul3A_27, %dma_start3A_35] : memref<10240x16xf32, #tpu.memory_space<vmem_shared>> -> memref<640x16xf32, #tpu.memory_space<vmem_shared>>
      tpu.enqueue_dma source(%dma_start3A_36 : memref<640x16xf32, #tpu.memory_space<vmem_shared>>) target(%dma_start3A_34 : memref<640x16xf32, #tpu.memory_space<hbm>>) target_semaphore(%run_scoped3A : memref<!tpu.dma_semaphore, #tpu.memory_space<semaphore_mem>>)
      %dma_wait3A = arith.constant 0 : i32
      %dma_wait3A_37 = arith.constant 0 : i32
      %dma_wait3A_38 = tpu.memref_slice %arg3[%arg0, %dma_wait3A, %dma_wait3A_37] : memref<2x10240x16xf32, #tpu.memory_space<hbm>> -> memref<1x10240x16xf32, #tpu.memory_space<hbm>>
      %dma_wait3A_39 = tpu.memref_squeeze %dma_wait3A_38 : memref<1x10240x16xf32, #tpu.memory_space<hbm>> -> memref<10240x16xf32, #tpu.memory_space<hbm>>
      %dma_wait3A_40 = arith.constant 0 : i32
      %dma_wait3A_41 = tpu.memref_slice %dma_wait3A_39[%mul3A_29, %dma_wait3A_40] : memref<10240x16xf32, #tpu.memory_space<hbm>> -> memref<640x16xf32, #tpu.memory_space<hbm>>
      %dma_wait3A_42 = arith.constant 0 : i32
      %dma_wait3A_43 = tpu.memref_slice %arg6[%mul3A_27, %dma_wait3A_42] : memref<10240x16xf32, #tpu.memory_space<vmem_shared>> -> memref<640x16xf32, #tpu.memory_space<vmem_shared>>
      tpu.wait_dma2 semaphore(%run_scoped3A : memref<!tpu.dma_semaphore, #tpu.memory_space<semaphore_mem>>) src(%dma_wait3A_43 : memref<640x16xf32, #tpu.memory_space<vmem_shared>>) dst(%dma_wait3A_41 : memref<640x16xf32, #tpu.memory_space<hbm>>)
      tpu.yield
    }) : () -> ()
    return
  }
}

#map = affine_map<(d0, d1) -> (0, 0)>
#map1 = affine_map<(d0, d1) -> (0, 0, 0)>
module attributes {stable_mosaic.version = 14 : i64} {
  func.func @body(%arg0: i32, %arg1: i32, %arg2: memref<10000x64xf32, #tpu.memory_space<hbm>>, %arg3: memref<2560x2x128xi32, #tpu.memory_space<hbm>>, %arg4: memref<2x10240x64xf32, #tpu.memory_space<hbm>>, %arg5: memref<40x2x128xi32, #tpu.memory_space<vmem>>, %arg6: memref<128x64xf32, #tpu.memory_space<vmem>>, %arg7: memref<128x64xf32, #tpu.memory_space<vmem>>, %arg8: memref<10240x64xf32, #tpu.memory_space<vmem_shared>>, %arg9: memref<!tpu.dma_semaphore, #tpu.memory_space<semaphore_mem>>, %arg10: memref<!tpu.dma_semaphore, #tpu.memory_space<semaphore_mem>>) attributes {dimension_semantics = [#tpu.dimension_semantics<core_parallel>, #tpu.dimension_semantics<subcore_parallel>], iteration_bounds = array<i64: 2, 16>, scalar_prefetch = 0 : i64, scratch_operands = 6 : i64, tpu.core_type = #tpu.core_type<sc_vector_subcore>, window_params = [{transform_indices = #map}, {transform_indices = #map1}, {transform_indices = #map1}]} {
    %scan3A = arith.constant 0 : i32
    %scan3A_0 = arith.constant 128 : i32
    %scan3A_1 = arith.addi %scan3A, %scan3A_0 : i32
    %scan3A_2 = arith.constant 1 : i32
    scf.for %scan3A_25 = %scan3A to %scan3A_1 step %scan3A_2  : i32 {
      %mul3A_26 = arith.constant 1 : i32
      %mul3A_27 = arith.muli %scan3A_25, %mul3A_26 : i32
      %add3A_28 = arith.constant 0 : i32
      %add3A_29 = arith.addi %add3A_28, %mul3A_27 : i32
      %scan3A_30 = arith.constant 0 : i32
      %scan3A_31 = arith.constant 4 : i32
      %scan3A_32 = arith.addi %scan3A_30, %scan3A_31 : i32
      %scan3A_33 = arith.constant 1 : i32
      scf.for %scan3A_35 = %scan3A_30 to %scan3A_32 step %scan3A_33  : i32 {
        %mul3A_36 = arith.constant 16 : i32
        %mul3A_37 = arith.muli %scan3A_35, %mul3A_36 : i32
        %add3A_38 = arith.constant 0 : i32
        %add3A_39 = arith.addi %add3A_38, %mul3A_37 : i32
        %broadcast_in_dim3A = arith.constant 0.000000e+00 : f32
        %broadcast_in_dim3A_40 = vector.broadcast %broadcast_in_dim3A : f32 to vector<16xf32>
        %swap3A = arith.index_cast %add3A_29 : i32 to index
        %swap3A_41 = arith.index_cast %add3A_39 : i32 to index
        %swap3A_42 = tpu.vector_load %arg6[%swap3A, %swap3A_41] {strides = array<i32>} : memref<128x64xf32, #tpu.memory_space<vmem>>, vector<1x16xf32>,
        %swap3A_43 = vector.shape_cast %swap3A_42 : vector<1x16xf32> to vector<16xf32>
        %swap3A_44 = vector.shape_cast %broadcast_in_dim3A_40 : vector<16xf32> to vector<1x16xf32>
        tpu.vector_store %arg6[%swap3A, %swap3A_41], %swap3A_44 {strides = array<i32>} : memref<128x64xf32, #tpu.memory_space<vmem>>, vector<1x16xf32>,
      }
      %scan3A_34 = arith.constant 4 : i32
    }
    %scan3A_3 = arith.constant 128 : i32
    %scan3A_4 = arith.constant 0 : i32
    %scan3A_5 = arith.constant 5 : i32
    %scan3A_6 = arith.addi %scan3A_4, %scan3A_5 : i32
    %scan3A_7 = arith.constant 1 : i32
    scf.for %scan3A_25 = %scan3A_4 to %scan3A_6 step %scan3A_7  : i32 {
      %mul3A_26 = arith.constant 128 : i32
      %mul3A_27 = arith.muli %scan3A_25, %mul3A_26 : i32
      %add3A_28 = arith.constant 0 : i32
      %add3A_29 = arith.addi %add3A_28, %mul3A_27 : i32
      %mul3A_30 = arith.constant 640 : i32
      %mul3A_31 = arith.muli %arg1, %mul3A_30 : i32
      %add3A_32 = arith.addi %mul3A_31, %add3A_29 : i32
      "tpu.region"() ({
        %run_scoped3A = tpu.sem_alloc : memref<!tpu.dma_semaphore, #tpu.memory_space<semaphore_mem>>
        %dma_start3A = arith.constant 0 : i32
        %dma_start3A_33 = tpu.memref_slice %arg8[%add3A_32, %dma_start3A] : memref<10240x64xf32, #tpu.memory_space<vmem_shared>> -> memref<128x64xf32, #tpu.memory_space<vmem_shared>>
        %dma_start3A_34 = arith.constant 0 : i32
        %dma_start3A_35 = tpu.memref_slice %arg8[%add3A_32, %dma_start3A_34] : memref<10240x64xf32, #tpu.memory_space<vmem_shared>> -> memref<128x64xf32, #tpu.memory_space<vmem_shared>>
        tpu.enqueue_dma source(%arg6 : memref<128x64xf32, #tpu.memory_space<vmem>>) target(%dma_start3A_35 : memref<128x64xf32, #tpu.memory_space<vmem_shared>>) target_semaphore(%run_scoped3A : memref<!tpu.dma_semaphore, #tpu.memory_space<semaphore_mem>>)
        %dma_wait3A = arith.constant 0 : i32
        %dma_wait3A_36 = tpu.memref_slice %arg8[%add3A_32, %dma_wait3A] : memref<10240x64xf32, #tpu.memory_space<vmem_shared>> -> memref<128x64xf32, #tpu.memory_space<vmem_shared>>
        %dma_wait3A_37 = arith.constant 0 : i32
        %dma_wait3A_38 = tpu.memref_slice %arg8[%add3A_32, %dma_wait3A_37] : memref<10240x64xf32, #tpu.memory_space<vmem_shared>> -> memref<128x64xf32, #tpu.memory_space<vmem_shared>>
        tpu.wait_dma2 semaphore(%run_scoped3A : memref<!tpu.dma_semaphore, #tpu.memory_space<semaphore_mem>>) src(%arg6 : memref<128x64xf32, #tpu.memory_space<vmem>>) dst(%dma_wait3A_38 : memref<128x64xf32, #tpu.memory_space<vmem_shared>>)
        tpu.yield
      }) : () -> ()
    }
    %scan3A_8 = arith.constant 5 : i32
    %mul3A = arith.constant 16 : i32
    %mul3A_9 = arith.muli %arg0, %mul3A : i32
    %add3A = arith.addi %mul3A_9, %arg1 : i32
    %mul3A_10 = arith.constant 80 : i32
    %mul3A_11 = arith.muli %add3A, %mul3A_10 : i32
    %barrier3A = arith.constant 0 : index
    tpu.barrier barrier_id(%barrier3A)
    %scan3A_12 = arith.constant 0 : i32
    %scan3A_13 = arith.constant 2 : i32
    %scan3A_14 = arith.addi %scan3A_12, %scan3A_13 : i32
    %scan3A_15 = arith.constant 1 : i32
    scf.for %scan3A_25 = %scan3A_12 to %scan3A_14 step %scan3A_15  : i32 {
      %mul3A_26 = arith.constant 1 : i32
      %mul3A_27 = arith.muli %scan3A_25, %mul3A_26 : i32
      %add3A_28 = arith.constant 0 : i32
      %add3A_29 = arith.addi %add3A_28, %mul3A_27 : i32
      %mul3A_30 = arith.constant 40 : i32
      %mul3A_31 = arith.muli %add3A_29, %mul3A_30 : i32
      %add3A_32 = arith.addi %mul3A_11, %mul3A_31 : i32
      "tpu.region"() ({
        %run_scoped3A_71 = tpu.sem_alloc : memref<!tpu.dma_semaphore, #tpu.memory_space<semaphore_mem>>
        %dma_start3A_72 = arith.constant 0 : i32
        %dma_start3A_73 = arith.constant 0 : i32
        %dma_start3A_74 = tpu.memref_slice %arg3[%add3A_32, %dma_start3A_72, %dma_start3A_73] : memref<2560x2x128xi32, #tpu.memory_space<hbm>> -> memref<40x2x128xi32, #tpu.memory_space<hbm>>
        %dma_start3A_75 = arith.constant 0 : i32
        %dma_start3A_76 = arith.constant 0 : i32
        %dma_start3A_77 = tpu.memref_slice %arg3[%add3A_32, %dma_start3A_75, %dma_start3A_76] : memref<2560x2x128xi32, #tpu.memory_space<hbm>> -> memref<40x2x128xi32, #tpu.memory_space<hbm>>
        tpu.enqueue_dma source(%dma_start3A_77 : memref<40x2x128xi32, #tpu.memory_space<hbm>>) target(%arg5 : memref<40x2x128xi32, #tpu.memory_space<vmem>>) target_semaphore(%run_scoped3A_71 : memref<!tpu.dma_semaphore, #tpu.memory_space<semaphore_mem>>)
        %dma_wait3A_78 = arith.constant 0 : i32
        %dma_wait3A_79 = arith.constant 0 : i32
        %dma_wait3A_80 = tpu.memref_slice %arg3[%add3A_32, %dma_wait3A_78, %dma_wait3A_79] : memref<2560x2x128xi32, #tpu.memory_space<hbm>> -> memref<40x2x128xi32, #tpu.memory_space<hbm>>
        %dma_wait3A_81 = arith.constant 0 : i32
        %dma_wait3A_82 = arith.constant 0 : i32
        %dma_wait3A_83 = tpu.memref_slice %arg3[%add3A_32, %dma_wait3A_81, %dma_wait3A_82] : memref<2560x2x128xi32, #tpu.memory_space<hbm>> -> memref<40x2x128xi32, #tpu.memory_space<hbm>>
        tpu.wait_dma2 semaphore(%run_scoped3A_71 : memref<!tpu.dma_semaphore, #tpu.memory_space<semaphore_mem>>) src(%dma_wait3A_83 : memref<40x2x128xi32, #tpu.memory_space<hbm>>) dst(%arg5 : memref<40x2x128xi32, #tpu.memory_space<vmem>>)
        tpu.yield
      }) : () -> ()
      %dma_start3A = arith.constant 0 : i32
      %dma_start3A_33 = arith.constant 0 : i32
      %dma_start3A_34 = arith.constant 0 : i32
      %dma_start3A_35 = tpu.memref_slice %arg5[%dma_start3A, %dma_start3A_33, %dma_start3A_34] : memref<40x2x128xi32, #tpu.memory_space<vmem>> -> memref<1x1x128xi32, #tpu.memory_space<vmem>>
      %dma_start3A_36 = tpu.memref_squeeze %dma_start3A_35 : memref<1x1x128xi32, #tpu.memory_space<vmem>> -> memref<128xi32, #tpu.memory_space<vmem>>
      %dma_start3A_37 = arith.constant 0 : i32
      %dma_start3A_38 = arith.constant 0 : i32
      %dma_start3A_39 = tpu.memref_slice %arg2[%dma_start3A_37, %dma_start3A_38] : memref<10000x64xf32, #tpu.memory_space<hbm>> -> memref<10000x64xf32, #tpu.memory_space<hbm>>
      tpu.enqueue_indirect_dma source(%dma_start3A_39 : memref<10000x64xf32, #tpu.memory_space<hbm>>) target(%arg6 : memref<128x64xf32, #tpu.memory_space<vmem>>) offsets(%dma_start3A_36 : memref<128xi32, #tpu.memory_space<vmem>>) semaphore(%arg9 : memref<!tpu.dma_semaphore, #tpu.memory_space<semaphore_mem>>)
      %scan3A_40 = arith.constant 0 : i32
      %scan3A_41 = arith.constant 19 : i32
      %scan3A_42 = arith.addi %scan3A_40, %scan3A_41 : i32
      %scan3A_43 = arith.constant 1 : i32
      scf.for %scan3A_71 = %scan3A_40 to %scan3A_42 step %scan3A_43  : i32 {
        %mul3A_72 = arith.constant 2 : i32
        %mul3A_73 = arith.muli %scan3A_71, %mul3A_72 : i32
        %add3A_74 = arith.constant 0 : i32
        %add3A_75 = arith.addi %add3A_74, %mul3A_73 : i32
        %add3A_76 = arith.constant 1 : i32
        %add3A_77 = arith.addi %add3A_75, %add3A_76 : i32
        %dma_start3A_78 = arith.constant 0 : i32
        %dma_start3A_79 = arith.constant 0 : i32
        %dma_start3A_80 = tpu.memref_slice %arg5[%add3A_77, %dma_start3A_78, %dma_start3A_79] : memref<40x2x128xi32, #tpu.memory_space<vmem>> -> memref<1x1x128xi32, #tpu.memory_space<vmem>>
        %dma_start3A_81 = tpu.memref_squeeze %dma_start3A_80 : memref<1x1x128xi32, #tpu.memory_space<vmem>> -> memref<128xi32, #tpu.memory_space<vmem>>
        %dma_start3A_82 = arith.constant 0 : i32
        %dma_start3A_83 = arith.constant 0 : i32
        %dma_start3A_84 = tpu.memref_slice %arg2[%dma_start3A_82, %dma_start3A_83] : memref<10000x64xf32, #tpu.memory_space<hbm>> -> memref<10000x64xf32, #tpu.memory_space<hbm>>
        tpu.enqueue_indirect_dma source(%dma_start3A_84 : memref<10000x64xf32, #tpu.memory_space<hbm>>) target(%arg7 : memref<128x64xf32, #tpu.memory_space<vmem>>) offsets(%dma_start3A_81 : memref<128xi32, #tpu.memory_space<vmem>>) semaphore(%arg10 : memref<!tpu.dma_semaphore, #tpu.memory_space<semaphore_mem>>)
        %dma_wait3A_85 = arith.constant 0 : i32
        %dma_wait3A_86 = arith.constant 0 : i32
        %dma_wait3A_87 = tpu.memref_slice %arg5[%add3A_75, %dma_wait3A_85, %dma_wait3A_86] : memref<40x2x128xi32, #tpu.memory_space<vmem>> -> memref<1x1x128xi32, #tpu.memory_space<vmem>>
        %dma_wait3A_88 = tpu.memref_squeeze %dma_wait3A_87 : memref<1x1x128xi32, #tpu.memory_space<vmem>> -> memref<128xi32, #tpu.memory_space<vmem>>
        %dma_wait3A_89 = arith.constant 0 : i32
        %dma_wait3A_90 = arith.constant 0 : i32
        %dma_wait3A_91 = tpu.memref_slice %arg2[%dma_wait3A_89, %dma_wait3A_90] : memref<10000x64xf32, #tpu.memory_space<hbm>> -> memref<10000x64xf32, #tpu.memory_space<hbm>>
        tpu.wait_indirect_dma semaphore(%arg9 : memref<!tpu.dma_semaphore, #tpu.memory_space<semaphore_mem>>) src(%dma_wait3A_91 : memref<10000x64xf32, #tpu.memory_space<hbm>>) dst(%arg6 : memref<128x64xf32, #tpu.memory_space<vmem>>)
        %run_scoped3A_92 = arith.constant 1 : i32
        "tpu.region"() ({
          %run_scoped3A_114 = tpu.sem_alloc : memref<!tpu.dma_semaphore, #tpu.memory_space<semaphore_mem>>
          %dma_start3A_115 = arith.constant 0 : i32
          %dma_start3A_116 = tpu.memref_slice %arg5[%add3A_75, %run_scoped3A_92, %dma_start3A_115] : memref<40x2x128xi32, #tpu.memory_space<vmem>> -> memref<1x1x128xi32, #tpu.memory_space<vmem>>
          %dma_start3A_117 = tpu.memref_squeeze %dma_start3A_116 : memref<1x1x128xi32, #tpu.memory_space<vmem>> -> memref<128xi32, #tpu.memory_space<vmem>>
          %dma_start3A_118 = arith.constant 0 : i32
          %dma_start3A_119 = arith.constant 0 : i32
          %dma_start3A_120 = tpu.memref_slice %arg8[%dma_start3A_118, %dma_start3A_119] : memref<10240x64xf32, #tpu.memory_space<vmem_shared>> -> memref<10240x64xf32, #tpu.memory_space<vmem_shared>>
          tpu.enqueue_indirect_dma source(%arg6 : memref<128x64xf32, #tpu.memory_space<vmem>>) target(%dma_start3A_120 : memref<10240x64xf32, #tpu.memory_space<vmem_shared>>) offsets(%dma_start3A_117 : memref<128xi32, #tpu.memory_space<vmem>>) semaphore(%run_scoped3A_114 : memref<!tpu.dma_semaphore, #tpu.memory_space<semaphore_mem>>) {add = true}
          %dma_wait3A_121 = arith.constant 0 : i32
          %dma_wait3A_122 = tpu.memref_slice %arg5[%add3A_75, %run_scoped3A_92, %dma_wait3A_121] : memref<40x2x128xi32, #tpu.memory_space<vmem>> -> memref<1x1x128xi32, #tpu.memory_space<vmem>>
          %dma_wait3A_123 = tpu.memref_squeeze %dma_wait3A_122 : memref<1x1x128xi32, #tpu.memory_space<vmem>> -> memref<128xi32, #tpu.memory_space<vmem>>
          %dma_wait3A_124 = arith.constant 0 : i32
          %dma_wait3A_125 = arith.constant 0 : i32
          %dma_wait3A_126 = tpu.memref_slice %arg8[%dma_wait3A_124, %dma_wait3A_125] : memref<10240x64xf32, #tpu.memory_space<vmem_shared>> -> memref<10240x64xf32, #tpu.memory_space<vmem_shared>>
          tpu.wait_indirect_dma semaphore(%run_scoped3A_114 : memref<!tpu.dma_semaphore, #tpu.memory_space<semaphore_mem>>) src(%arg6 : memref<128x64xf32, #tpu.memory_space<vmem>>) dst(%dma_wait3A_126 : memref<10240x64xf32, #tpu.memory_space<vmem_shared>>)
          tpu.yield
        }) : () -> ()
        %add3A_93 = arith.constant 2 : i32
        %add3A_94 = arith.addi %add3A_75, %add3A_93 : i32
        %dma_start3A_95 = arith.constant 0 : i32
        %dma_start3A_96 = arith.constant 0 : i32
        %dma_start3A_97 = tpu.memref_slice %arg5[%add3A_94, %dma_start3A_95, %dma_start3A_96] : memref<40x2x128xi32, #tpu.memory_space<vmem>> -> memref<1x1x128xi32, #tpu.memory_space<vmem>>
        %dma_start3A_98 = tpu.memref_squeeze %dma_start3A_97 : memref<1x1x128xi32, #tpu.memory_space<vmem>> -> memref<128xi32, #tpu.memory_space<vmem>>
        %dma_start3A_99 = arith.constant 0 : i32
        %dma_start3A_100 = arith.constant 0 : i32
        %dma_start3A_101 = tpu.memref_slice %arg2[%dma_start3A_99, %dma_start3A_100] : memref<10000x64xf32, #tpu.memory_space<hbm>> -> memref<10000x64xf32, #tpu.memory_space<hbm>>
        tpu.enqueue_indirect_dma source(%dma_start3A_101 : memref<10000x64xf32, #tpu.memory_space<hbm>>) target(%arg6 : memref<128x64xf32, #tpu.memory_space<vmem>>) offsets(%dma_start3A_98 : memref<128xi32, #tpu.memory_space<vmem>>) semaphore(%arg9 : memref<!tpu.dma_semaphore, #tpu.memory_space<semaphore_mem>>)
        %add3A_102 = arith.constant 1 : i32
        %add3A_103 = arith.addi %add3A_75, %add3A_102 : i32
        %dma_wait3A_104 = arith.constant 0 : i32
        %dma_wait3A_105 = arith.constant 0 : i32
        %dma_wait3A_106 = tpu.memref_slice %arg5[%add3A_103, %dma_wait3A_104, %dma_wait3A_105] : memref<40x2x128xi32, #tpu.memory_space<vmem>> -> memref<1x1x128xi32, #tpu.memory_space<vmem>>
        %dma_wait3A_107 = tpu.memref_squeeze %dma_wait3A_106 : memref<1x1x128xi32, #tpu.memory_space<vmem>> -> memref<128xi32, #tpu.memory_space<vmem>>
        %dma_wait3A_108 = arith.constant 0 : i32
        %dma_wait3A_109 = arith.constant 0 : i32
        %dma_wait3A_110 = tpu.memref_slice %arg2[%dma_wait3A_108, %dma_wait3A_109] : memref<10000x64xf32, #tpu.memory_space<hbm>> -> memref<10000x64xf32, #tpu.memory_space<hbm>>
        tpu.wait_indirect_dma semaphore(%arg10 : memref<!tpu.dma_semaphore, #tpu.memory_space<semaphore_mem>>) src(%dma_wait3A_110 : memref<10000x64xf32, #tpu.memory_space<hbm>>) dst(%arg7 : memref<128x64xf32, #tpu.memory_space<vmem>>)
        %add3A_111 = arith.constant 1 : i32
        %add3A_112 = arith.addi %add3A_75, %add3A_111 : i32
        %run_scoped3A_113 = arith.constant 1 : i32
        "tpu.region"() ({
          %run_scoped3A_114 = tpu.sem_alloc : memref<!tpu.dma_semaphore, #tpu.memory_space<semaphore_mem>>
          %dma_start3A_115 = arith.constant 0 : i32
          %dma_start3A_116 = tpu.memref_slice %arg5[%add3A_112, %run_scoped3A_113, %dma_start3A_115] : memref<40x2x128xi32, #tpu.memory_space<vmem>> -> memref<1x1x128xi32, #tpu.memory_space<vmem>>
          %dma_start3A_117 = tpu.memref_squeeze %dma_start3A_116 : memref<1x1x128xi32, #tpu.memory_space<vmem>> -> memref<128xi32, #tpu.memory_space<vmem>>
          %dma_start3A_118 = arith.constant 0 : i32
          %dma_start3A_119 = arith.constant 0 : i32
          %dma_start3A_120 = tpu.memref_slice %arg8[%dma_start3A_118, %dma_start3A_119] : memref<10240x64xf32, #tpu.memory_space<vmem_shared>> -> memref<10240x64xf32, #tpu.memory_space<vmem_shared>>
          tpu.enqueue_indirect_dma source(%arg7 : memref<128x64xf32, #tpu.memory_space<vmem>>) target(%dma_start3A_120 : memref<10240x64xf32, #tpu.memory_space<vmem_shared>>) offsets(%dma_start3A_117 : memref<128xi32, #tpu.memory_space<vmem>>) semaphore(%run_scoped3A_114 : memref<!tpu.dma_semaphore, #tpu.memory_space<semaphore_mem>>) {add = true}
          %dma_wait3A_121 = arith.constant 0 : i32
          %dma_wait3A_122 = tpu.memref_slice %arg5[%add3A_112, %run_scoped3A_113, %dma_wait3A_121] : memref<40x2x128xi32, #tpu.memory_space<vmem>> -> memref<1x1x128xi32, #tpu.memory_space<vmem>>
          %dma_wait3A_123 = tpu.memref_squeeze %dma_wait3A_122 : memref<1x1x128xi32, #tpu.memory_space<vmem>> -> memref<128xi32, #tpu.memory_space<vmem>>
          %dma_wait3A_124 = arith.constant 0 : i32
          %dma_wait3A_125 = arith.constant 0 : i32
          %dma_wait3A_126 = tpu.memref_slice %arg8[%dma_wait3A_124, %dma_wait3A_125] : memref<10240x64xf32, #tpu.memory_space<vmem_shared>> -> memref<10240x64xf32, #tpu.memory_space<vmem_shared>>
          tpu.wait_indirect_dma semaphore(%run_scoped3A_114 : memref<!tpu.dma_semaphore, #tpu.memory_space<semaphore_mem>>) src(%arg7 : memref<128x64xf32, #tpu.memory_space<vmem>>) dst(%dma_wait3A_126 : memref<10240x64xf32, #tpu.memory_space<vmem_shared>>)
          tpu.yield
        }) : () -> ()
      }
      %scan3A_44 = arith.constant 19 : i32
      %dma_start3A_45 = arith.constant 39 : i32
      %dma_start3A_46 = arith.constant 0 : i32
      %dma_start3A_47 = arith.constant 0 : i32
      %dma_start3A_48 = tpu.memref_slice %arg5[%dma_start3A_45, %dma_start3A_46, %dma_start3A_47] : memref<40x2x128xi32, #tpu.memory_space<vmem>> -> memref<1x1x128xi32, #tpu.memory_space<vmem>>
      %dma_start3A_49 = tpu.memref_squeeze %dma_start3A_48 : memref<1x1x128xi32, #tpu.memory_space<vmem>> -> memref<128xi32, #tpu.memory_space<vmem>>
      %dma_start3A_50 = arith.constant 0 : i32
      %dma_start3A_51 = arith.constant 0 : i32
      %dma_start3A_52 = tpu.memref_slice %arg2[%dma_start3A_50, %dma_start3A_51] : memref<10000x64xf32, #tpu.memory_space<hbm>> -> memref<10000x64xf32, #tpu.memory_space<hbm>>
      tpu.enqueue_indirect_dma source(%dma_start3A_52 : memref<10000x64xf32, #tpu.memory_space<hbm>>) target(%arg7 : memref<128x64xf32, #tpu.memory_space<vmem>>) offsets(%dma_start3A_49 : memref<128xi32, #tpu.memory_space<vmem>>) semaphore(%arg10 : memref<!tpu.dma_semaphore, #tpu.memory_space<semaphore_mem>>)
      %dma_wait3A = arith.constant 38 : i32
      %dma_wait3A_53 = arith.constant 0 : i32
      %dma_wait3A_54 = arith.constant 0 : i32
      %dma_wait3A_55 = tpu.memref_slice %arg5[%dma_wait3A, %dma_wait3A_53, %dma_wait3A_54] : memref<40x2x128xi32, #tpu.memory_space<vmem>> -> memref<1x1x128xi32, #tpu.memory_space<vmem>>
      %dma_wait3A_56 = tpu.memref_squeeze %dma_wait3A_55 : memref<1x1x128xi32, #tpu.memory_space<vmem>> -> memref<128xi32, #tpu.memory_space<vmem>>
      %dma_wait3A_57 = arith.constant 0 : i32
      %dma_wait3A_58 = arith.constant 0 : i32
      %dma_wait3A_59 = tpu.memref_slice %arg2[%dma_wait3A_57, %dma_wait3A_58] : memref<10000x64xf32, #tpu.memory_space<hbm>> -> memref<10000x64xf32, #tpu.memory_space<hbm>>
      tpu.wait_indirect_dma semaphore(%arg9 : memref<!tpu.dma_semaphore, #tpu.memory_space<semaphore_mem>>) src(%dma_wait3A_59 : memref<10000x64xf32, #tpu.memory_space<hbm>>) dst(%arg6 : memref<128x64xf32, #tpu.memory_space<vmem>>)
      %run_scoped3A = arith.constant 38 : i32
      %run_scoped3A_60 = arith.constant 1 : i32
      "tpu.region"() ({
        %run_scoped3A_71 = tpu.sem_alloc : memref<!tpu.dma_semaphore, #tpu.memory_space<semaphore_mem>>
        %dma_start3A_72 = arith.constant 0 : i32
        %dma_start3A_73 = tpu.memref_slice %arg5[%run_scoped3A, %run_scoped3A_60, %dma_start3A_72] : memref<40x2x128xi32, #tpu.memory_space<vmem>> -> memref<1x1x128xi32, #tpu.memory_space<vmem>>
        %dma_start3A_74 = tpu.memref_squeeze %dma_start3A_73 : memref<1x1x128xi32, #tpu.memory_space<vmem>> -> memref<128xi32, #tpu.memory_space<vmem>>
        %dma_start3A_75 = arith.constant 0 : i32
        %dma_start3A_76 = arith.constant 0 : i32
        %dma_start3A_77 = tpu.memref_slice %arg8[%dma_start3A_75, %dma_start3A_76] : memref<10240x64xf32, #tpu.memory_space<vmem_shared>> -> memref<10240x64xf32, #tpu.memory_space<vmem_shared>>
        tpu.enqueue_indirect_dma source(%arg6 : memref<128x64xf32, #tpu.memory_space<vmem>>) target(%dma_start3A_77 : memref<10240x64xf32, #tpu.memory_space<vmem_shared>>) offsets(%dma_start3A_74 : memref<128xi32, #tpu.memory_space<vmem>>) semaphore(%run_scoped3A_71 : memref<!tpu.dma_semaphore, #tpu.memory_space<semaphore_mem>>) {add = true}
        %dma_wait3A_78 = arith.constant 0 : i32
        %dma_wait3A_79 = tpu.memref_slice %arg5[%run_scoped3A, %run_scoped3A_60, %dma_wait3A_78] : memref<40x2x128xi32, #tpu.memory_space<vmem>> -> memref<1x1x128xi32, #tpu.memory_space<vmem>>
        %dma_wait3A_80 = tpu.memref_squeeze %dma_wait3A_79 : memref<1x1x128xi32, #tpu.memory_space<vmem>> -> memref<128xi32, #tpu.memory_space<vmem>>
        %dma_wait3A_81 = arith.constant 0 : i32
        %dma_wait3A_82 = arith.constant 0 : i32
        %dma_wait3A_83 = tpu.memref_slice %arg8[%dma_wait3A_81, %dma_wait3A_82] : memref<10240x64xf32, #tpu.memory_space<vmem_shared>> -> memref<10240x64xf32, #tpu.memory_space<vmem_shared>>
        tpu.wait_indirect_dma semaphore(%run_scoped3A_71 : memref<!tpu.dma_semaphore, #tpu.memory_space<semaphore_mem>>) src(%arg6 : memref<128x64xf32, #tpu.memory_space<vmem>>) dst(%dma_wait3A_83 : memref<10240x64xf32, #tpu.memory_space<vmem_shared>>)
        tpu.yield
      }) : () -> ()
      %dma_wait3A_61 = arith.constant 39 : i32
      %dma_wait3A_62 = arith.constant 0 : i32
      %dma_wait3A_63 = arith.constant 0 : i32
      %dma_wait3A_64 = tpu.memref_slice %arg5[%dma_wait3A_61, %dma_wait3A_62, %dma_wait3A_63] : memref<40x2x128xi32, #tpu.memory_space<vmem>> -> memref<1x1x128xi32, #tpu.memory_space<vmem>>
      %dma_wait3A_65 = tpu.memref_squeeze %dma_wait3A_64 : memref<1x1x128xi32, #tpu.memory_space<vmem>> -> memref<128xi32, #tpu.memory_space<vmem>>
      %dma_wait3A_66 = arith.constant 0 : i32
      %dma_wait3A_67 = arith.constant 0 : i32
      %dma_wait3A_68 = tpu.memref_slice %arg2[%dma_wait3A_66, %dma_wait3A_67] : memref<10000x64xf32, #tpu.memory_space<hbm>> -> memref<10000x64xf32, #tpu.memory_space<hbm>>
      tpu.wait_indirect_dma semaphore(%arg10 : memref<!tpu.dma_semaphore, #tpu.memory_space<semaphore_mem>>) src(%dma_wait3A_68 : memref<10000x64xf32, #tpu.memory_space<hbm>>) dst(%arg7 : memref<128x64xf32, #tpu.memory_space<vmem>>)
      %run_scoped3A_69 = arith.constant 39 : i32
      %run_scoped3A_70 = arith.constant 1 : i32
      "tpu.region"() ({
        %run_scoped3A_71 = tpu.sem_alloc : memref<!tpu.dma_semaphore, #tpu.memory_space<semaphore_mem>>
        %dma_start3A_72 = arith.constant 0 : i32
        %dma_start3A_73 = tpu.memref_slice %arg5[%run_scoped3A_69, %run_scoped3A_70, %dma_start3A_72] : memref<40x2x128xi32, #tpu.memory_space<vmem>> -> memref<1x1x128xi32, #tpu.memory_space<vmem>>
        %dma_start3A_74 = tpu.memref_squeeze %dma_start3A_73 : memref<1x1x128xi32, #tpu.memory_space<vmem>> -> memref<128xi32, #tpu.memory_space<vmem>>
        %dma_start3A_75 = arith.constant 0 : i32
        %dma_start3A_76 = arith.constant 0 : i32
        %dma_start3A_77 = tpu.memref_slice %arg8[%dma_start3A_75, %dma_start3A_76] : memref<10240x64xf32, #tpu.memory_space<vmem_shared>> -> memref<10240x64xf32, #tpu.memory_space<vmem_shared>>
        tpu.enqueue_indirect_dma source(%arg7 : memref<128x64xf32, #tpu.memory_space<vmem>>) target(%dma_start3A_77 : memref<10240x64xf32, #tpu.memory_space<vmem_shared>>) offsets(%dma_start3A_74 : memref<128xi32, #tpu.memory_space<vmem>>) semaphore(%run_scoped3A_71 : memref<!tpu.dma_semaphore, #tpu.memory_space<semaphore_mem>>) {add = true}
        %dma_wait3A_78 = arith.constant 0 : i32
        %dma_wait3A_79 = tpu.memref_slice %arg5[%run_scoped3A_69, %run_scoped3A_70, %dma_wait3A_78] : memref<40x2x128xi32, #tpu.memory_space<vmem>> -> memref<1x1x128xi32, #tpu.memory_space<vmem>>
        %dma_wait3A_80 = tpu.memref_squeeze %dma_wait3A_79 : memref<1x1x128xi32, #tpu.memory_space<vmem>> -> memref<128xi32, #tpu.memory_space<vmem>>
        %dma_wait3A_81 = arith.constant 0 : i32
        %dma_wait3A_82 = arith.constant 0 : i32
        %dma_wait3A_83 = tpu.memref_slice %arg8[%dma_wait3A_81, %dma_wait3A_82] : memref<10240x64xf32, #tpu.memory_space<vmem_shared>> -> memref<10240x64xf32, #tpu.memory_space<vmem_shared>>
        tpu.wait_indirect_dma semaphore(%run_scoped3A_71 : memref<!tpu.dma_semaphore, #tpu.memory_space<semaphore_mem>>) src(%arg7 : memref<128x64xf32, #tpu.memory_space<vmem>>) dst(%dma_wait3A_83 : memref<10240x64xf32, #tpu.memory_space<vmem_shared>>)
        tpu.yield
      }) : () -> ()
    }
    %scan3A_16 = arith.constant 2 : i32
    %barrier3A_17 = arith.constant 0 : index
    tpu.barrier barrier_id(%barrier3A_17)
    %mul3A_18 = arith.constant 640 : i32
    %mul3A_19 = arith.muli %arg1, %mul3A_18 : i32
    "tpu.region"() ({
      %run_scoped3A = tpu.sem_alloc : memref<!tpu.dma_semaphore, #tpu.memory_space<semaphore_mem>>
      %dma_start3A = arith.constant 0 : i32
      %dma_start3A_25 = tpu.memref_slice %arg8[%mul3A_19, %dma_start3A] : memref<10240x64xf32, #tpu.memory_space<vmem_shared>> -> memref<128x64xf32, #tpu.memory_space<vmem_shared>>
      %dma_start3A_26 = arith.constant 0 : i32
      %dma_start3A_27 = tpu.memref_slice %arg8[%mul3A_19, %dma_start3A_26] : memref<10240x64xf32, #tpu.memory_space<vmem_shared>> -> memref<128x64xf32, #tpu.memory_space<vmem_shared>>
      tpu.enqueue_dma source(%dma_start3A_27 : memref<128x64xf32, #tpu.memory_space<vmem_shared>>) target(%arg6 : memref<128x64xf32, #tpu.memory_space<vmem>>) target_semaphore(%run_scoped3A : memref<!tpu.dma_semaphore, #tpu.memory_space<semaphore_mem>>)
      %dma_wait3A = arith.constant 0 : i32
      %dma_wait3A_28 = tpu.memref_slice %arg8[%mul3A_19, %dma_wait3A] : memref<10240x64xf32, #tpu.memory_space<vmem_shared>> -> memref<128x64xf32, #tpu.memory_space<vmem_shared>>
      %dma_wait3A_29 = arith.constant 0 : i32
      %dma_wait3A_30 = tpu.memref_slice %arg8[%mul3A_19, %dma_wait3A_29] : memref<10240x64xf32, #tpu.memory_space<vmem_shared>> -> memref<128x64xf32, #tpu.memory_space<vmem_shared>>
      tpu.wait_dma2 semaphore(%run_scoped3A : memref<!tpu.dma_semaphore, #tpu.memory_space<semaphore_mem>>) src(%dma_wait3A_30 : memref<128x64xf32, #tpu.memory_space<vmem_shared>>) dst(%arg6 : memref<128x64xf32, #tpu.memory_space<vmem>>)
      tpu.yield
    }) : () -> ()
    %barrier3A_20 = arith.constant 0 : index
    tpu.barrier barrier_id(%barrier3A_20)
    %mul3A_21 = arith.constant 640 : i32
    %mul3A_22 = arith.muli %arg1, %mul3A_21 : i32
    %mul3A_23 = arith.constant 640 : i32
    %mul3A_24 = arith.muli %arg1, %mul3A_23 : i32
    "tpu.region"() ({
      %run_scoped3A = tpu.sem_alloc : memref<!tpu.dma_semaphore, #tpu.memory_space<semaphore_mem>>
      %dma_start3A = arith.constant 0 : i32
      %dma_start3A_25 = arith.constant 0 : i32
      %dma_start3A_26 = tpu.memref_slice %arg4[%arg0, %dma_start3A, %dma_start3A_25] : memref<2x10240x64xf32, #tpu.memory_space<hbm>> -> memref<1x10240x64xf32, #tpu.memory_space<hbm>>
      %dma_start3A_27 = tpu.memref_squeeze %dma_start3A_26 : memref<1x10240x64xf32, #tpu.memory_space<hbm>> -> memref<10240x64xf32, #tpu.memory_space<hbm>>
      %dma_start3A_28 = arith.constant 0 : i32
      %dma_start3A_29 = tpu.memref_slice %dma_start3A_27[%mul3A_24, %dma_start3A_28] : memref<10240x64xf32, #tpu.memory_space<hbm>> -> memref<640x64xf32, #tpu.memory_space<hbm>>
      %dma_start3A_30 = arith.constant 0 : i32
      %dma_start3A_31 = tpu.memref_slice %arg8[%mul3A_22, %dma_start3A_30] : memref<10240x64xf32, #tpu.memory_space<vmem_shared>> -> memref<640x64xf32, #tpu.memory_space<vmem_shared>>
      tpu.enqueue_dma source(%dma_start3A_31 : memref<640x64xf32, #tpu.memory_space<vmem_shared>>) target(%dma_start3A_29 : memref<640x64xf32, #tpu.memory_space<hbm>>) target_semaphore(%run_scoped3A : memref<!tpu.dma_semaphore, #tpu.memory_space<semaphore_mem>>)
      %dma_wait3A = arith.constant 0 : i32
      %dma_wait3A_32 = arith.constant 0 : i32
      %dma_wait3A_33 = tpu.memref_slice %arg4[%arg0, %dma_wait3A, %dma_wait3A_32] : memref<2x10240x64xf32, #tpu.memory_space<hbm>> -> memref<1x10240x64xf32, #tpu.memory_space<hbm>>
      %dma_wait3A_34 = tpu.memref_squeeze %dma_wait3A_33 : memref<1x10240x64xf32, #tpu.memory_space<hbm>> -> memref<10240x64xf32, #tpu.memory_space<hbm>>
      %dma_wait3A_35 = arith.constant 0 : i32
      %dma_wait3A_36 = tpu.memref_slice %dma_wait3A_34[%mul3A_24, %dma_wait3A_35] : memref<10240x64xf32, #tpu.memory_space<hbm>> -> memref<640x64xf32, #tpu.memory_space<hbm>>
      %dma_wait3A_37 = arith.constant 0 : i32
      %dma_wait3A_38 = tpu.memref_slice %arg8[%mul3A_22, %dma_wait3A_37] : memref<10240x64xf32, #tpu.memory_space<vmem_shared>> -> memref<640x64xf32, #tpu.memory_space<vmem_shared>>
      tpu.wait_dma2 semaphore(%run_scoped3A : memref<!tpu.dma_semaphore, #tpu.memory_space<semaphore_mem>>) src(%dma_wait3A_38 : memref<640x64xf32, #tpu.memory_space<vmem_shared>>) dst(%dma_wait3A_36 : memref<640x64xf32, #tpu.memory_space<hbm>>)
      tpu.yield
    }) : () -> ()
    return
  }
}

module attributes {stable_mosaic.version = 14 : i64} {
  func.func @body(%arg0: i32, %arg1: memref<1000x128xf32, #tpu.memory_space<vmem>>, %arg2: memref<128x128xf32, #tpu.memory_space<vmem>>, %arg3: memref<1000x128xf32, #tpu.memory_space<vmem>>) attributes {dimension_semantics = [#tpu.dimension_semantics<arbitrary>], iteration_bounds = array<i64: 10>, scalar_prefetch = 0 : i64, scratch_operands = 0 : i64, tpu.core_type = #tpu.core_type<tc>, window_params = [{transform_indices = @transform_0, window_bounds = array<i64: 1000, 128>}, {pipeline_mode = #tpu.pipeline_mode<synchronous>, transform_indices = @transform_1, window_bounds = array<i64: 128, 128>}, {transform_indices = @transform_2, window_bounds = array<i64: 1000, 128>}]} {
    %get3A = arith.constant 0 : index
    %get3A_0 = arith.constant 0 : index
    %get3A_1 = vector.load %arg1[%get3A, %get3A_0] : memref<1000x128xf32, #tpu.memory_space<vmem>>, vector<1000x128xf32>
    %get3A_2 = arith.constant 0 : index
    %get3A_3 = arith.constant 0 : index
    %get3A_4 = vector.load %arg2[%get3A_2, %get3A_3] : memref<128x128xf32, #tpu.memory_space<vmem>>, vector<128x128xf32>
    %dot_general3A = arith.constant dense<0.000000e+00> : vector<1000x128xf32>
    %dot_general3A_5 = tpu.matmul %get3A_1, %get3A_4, %dot_general3A {dimension_numbers = #tpu.dot_dimension_numbers<[1], [0], [0], [1], [0, 0, 1, 1], [], []>, transpose_lhs_hint = false} : vector<1000x128xf32>, vector<128x128xf32>, vector<1000x128xf32> -> vector<1000x128xf32>
    %swap3A = arith.constant 0 : index
    %swap3A_6 = arith.constant 0 : index
    %swap3A_7 = vector.load %arg3[%swap3A, %swap3A_6] : memref<1000x128xf32, #tpu.memory_space<vmem>>, vector<1000x128xf32>
    tpu.vector_store %arg3[%swap3A, %swap3A_6], %dot_general3A_5 {strides = array<i32>} : memref<1000x128xf32, #tpu.memory_space<vmem>>, vector<1000x128xf32>,
    return
  }
  func.func @transform_0(%arg0: i32) -> (i32, i32) {
    %c0_i32 = arith.constant 0 : i32
    %c0_i32_0 = arith.constant 0 : i32
    return %arg0, %c0_i32 : i32, i32
  }
  func.func @transform_1(%arg0: i32) -> (i32, i32) {
    %c0_i32 = arith.constant 0 : i32
    %c0_i32_0 = arith.constant 0 : i32
    %c0_i32_1 = arith.constant 0 : i32
    return %c0_i32, %c0_i32_0 : i32, i32
  }
  func.func @transform_2(%arg0: i32) -> (i32, i32) {
    %c0_i32 = arith.constant 0 : i32
    %c0_i32_0 = arith.constant 0 : i32
    return %arg0, %c0_i32 : i32, i32
  }
}

module attributes {stable_mosaic.version = 14 : i64} {
  func.func @body(%arg0: i32, %arg1: memref<1000x128xf32, #tpu.memory_space<vmem>>, %arg2: memref<2x1000x16xf32, #tpu.memory_space<vmem>>, %arg3: memref<1000x128xf32, #tpu.memory_space<vmem>>, %arg4: memref<1000x1xf32, #tpu.memory_space<vmem>>) attributes {dimension_semantics = [#tpu.dimension_semantics<arbitrary>], iteration_bounds = array<i64: 10>, scalar_prefetch = 0 : i64, scratch_operands = 0 : i64, tpu.core_type = #tpu.core_type<tc>, window_params = [{transform_indices = @transform_0, window_bounds = array<i64: 1000, 128>}, {transform_indices = @transform_1, window_bounds = array<i64: 2, 1000, 16>}, {transform_indices = @transform_2, window_bounds = array<i64: 1000, 128>}, {transform_indices = @transform_3, window_bounds = array<i64: 1000, 1>}]} {
    %get3A = arith.constant 0 : index
    %get3A_0 = arith.constant 0 : index
    %get3A_1 = arith.constant 0 : index
    %get3A_2 = vector.load %arg2[%get3A, %get3A_0, %get3A_1] : memref<2x1000x16xf32, #tpu.memory_space<vmem>>, vector<1x1000x1xf32>
    %get3A_3 = vector.shape_cast %get3A_2 : vector<1x1000x1xf32> to vector<1000x1xf32>
    %get3A_4 = arith.constant 1 : index
    %get3A_5 = arith.constant 0 : index
    %get3A_6 = arith.constant 0 : index
    %get3A_7 = vector.load %arg2[%get3A_4, %get3A_5, %get3A_6] : memref<2x1000x16xf32, #tpu.memory_space<vmem>>, vector<1x1000x1xf32>
    %get3A_8 = vector.shape_cast %get3A_7 : vector<1x1000x1xf32> to vector<1000x1xf32>
    %add3A = arith.addf %get3A_3, %get3A_8 : vector<1000x1xf32>
    %add3A_9 = arith.constant 1.000000e+00 : f32
    %add3A_10 = vector.broadcast %add3A_9 : f32 to vector<1000x1xf32>
    %add3A_11 = arith.addf %add3A, %add3A_10 : vector<1000x1xf32>
    %rsqrt3A = math.rsqrt %add3A_11 : vector<1000x1xf32>
    %get3A_12 = arith.constant 0 : index
    %get3A_13 = arith.constant 0 : index
    %get3A_14 = vector.load %arg1[%get3A_12, %get3A_13] : memref<1000x128xf32, #tpu.memory_space<vmem>>, vector<1000x128xf32>
    %mul3A = vector.broadcast %rsqrt3A : vector<1000x1xf32> to vector<1000x128xf32>
    %mul3A_15 = arith.mulf %get3A_14, %mul3A : vector<1000x128xf32>
    %swap3A = arith.constant 0 : index
    %swap3A_16 = arith.constant 0 : index
    %swap3A_17 = vector.load %arg3[%swap3A, %swap3A_16] : memref<1000x128xf32, #tpu.memory_space<vmem>>, vector<1000x128xf32>
    tpu.vector_store %arg3[%swap3A, %swap3A_16], %mul3A_15 {strides = array<i32>} : memref<1000x128xf32, #tpu.memory_space<vmem>>, vector<1000x128xf32>,
    %swap3A_18 = arith.constant 0 : index
    %swap3A_19 = arith.constant 0 : index
    %swap3A_20 = vector.load %arg4[%swap3A_18, %swap3A_19] : memref<1000x1xf32, #tpu.memory_space<vmem>>, vector<1000x1xf32>
    tpu.vector_store %arg4[%swap3A_18, %swap3A_19], %rsqrt3A {strides = array<i32>} : memref<1000x1xf32, #tpu.memory_space<vmem>>, vector<1000x1xf32>,
    return
  }
  func.func @transform_0(%arg0: i32) -> (i32, i32) {
    %c0_i32 = arith.constant 0 : i32
    %c0_i32_0 = arith.constant 0 : i32
    return %arg0, %c0_i32 : i32, i32
  }
  func.func @transform_1(%arg0: i32) -> (i32, i32, i32) {
    %c0_i32 = arith.constant 0 : i32
    %c0_i32_0 = arith.constant 0 : i32
    %c0_i32_1 = arith.constant 0 : i32
    return %c0_i32, %arg0, %c0_i32_0 : i32, i32, i32
  }
  func.func @transform_2(%arg0: i32) -> (i32, i32) {
    %c0_i32 = arith.constant 0 : i32
    %c0_i32_0 = arith.constant 0 : i32
    return %arg0, %c0_i32 : i32, i32
  }
  func.func @transform_3(%arg0: i32) -> (i32, i32) {
    %c0_i32 = arith.constant 0 : i32
    %c0_i32_0 = arith.constant 0 : i32
    return %arg0, %c0_i32 : i32, i32
  }
}

module attributes {stable_mosaic.version = 14 : i64} {
  func.func @body(%arg0: i32, %arg1: memref<2x1000x128xf32, #tpu.memory_space<vmem>>, %arg2: memref<1000x128xf32, #tpu.memory_space<vmem>>, %arg3: memref<1000x1xf32, #tpu.memory_space<vmem>>, %arg4: memref<1x128xf32, #tpu.memory_space<vmem>>, %arg5: memref<128x64xf32, #tpu.memory_space<vmem>>, %arg6: memref<1000x64xf32, #tpu.memory_space<vmem>>) attributes {dimension_semantics = [#tpu.dimension_semantics<arbitrary>], iteration_bounds = array<i64: 10>, scalar_prefetch = 0 : i64, scratch_operands = 0 : i64, tpu.core_type = #tpu.core_type<tc>, window_params = [{transform_indices = @transform_0, window_bounds = array<i64: 2, 1000, 128>}, {transform_indices = @transform_1, window_bounds = array<i64: 1000, 128>}, {transform_indices = @transform_2, window_bounds = array<i64: 1000, 1>}, {pipeline_mode = #tpu.pipeline_mode<synchronous>, transform_indices = @transform_3, window_bounds = array<i64: 1, 128>}, {pipeline_mode = #tpu.pipeline_mode<synchronous>, transform_indices = @transform_4, window_bounds = array<i64: 128, 64>}, {transform_indices = @transform_5, window_bounds = array<i64: 1000, 64>}]} {
    %get3A = arith.constant 0 : index
    %get3A_0 = arith.constant 0 : index
    %get3A_1 = arith.constant 0 : index
    %get3A_2 = vector.load %arg1[%get3A, %get3A_0, %get3A_1] : memref<2x1000x128xf32, #tpu.memory_space<vmem>>, vector<1x1000x128xf32>
    %get3A_3 = vector.shape_cast %get3A_2 : vector<1x1000x128xf32> to vector<1000x128xf32>
    %get3A_4 = arith.constant 1 : index
    %get3A_5 = arith.constant 0 : index
    %get3A_6 = arith.constant 0 : index
    %get3A_7 = vector.load %arg1[%get3A_4, %get3A_5, %get3A_6] : memref<2x1000x128xf32, #tpu.memory_space<vmem>>, vector<1x1000x128xf32>
    %get3A_8 = vector.shape_cast %get3A_7 : vector<1x1000x128xf32> to vector<1000x128xf32>
    %add3A = arith.addf %get3A_3, %get3A_8 : vector<1000x128xf32>
    %get3A_9 = arith.constant 0 : index
    %get3A_10 = arith.constant 0 : index
    %get3A_11 = vector.load %arg2[%get3A_9, %get3A_10] : memref<1000x128xf32, #tpu.memory_space<vmem>>, vector<1000x128xf32>
    %add3A_12 = arith.addf %add3A, %get3A_11 : vector<1000x128xf32>
    %get3A_13 = arith.constant 0 : index
    %get3A_14 = arith.constant 0 : index
    %get3A_15 = vector.load %arg3[%get3A_13, %get3A_14] : memref<1000x1xf32, #tpu.memory_space<vmem>>, vector<1000x1xf32>
    %mul3A = vector.broadcast %get3A_15 : vector<1000x1xf32> to vector<1000x128xf32>
    %mul3A_16 = arith.mulf %add3A_12, %mul3A : vector<1000x128xf32>
    %get3A_17 = arith.constant 0 : index
    %get3A_18 = arith.constant 0 : index
    %get3A_19 = vector.load %arg4[%get3A_17, %get3A_18] : memref<1x128xf32, #tpu.memory_space<vmem>>, vector<1x128xf32>
    %add3A_20 = vector.broadcast %get3A_19 : vector<1x128xf32> to vector<1000x128xf32>
    %add3A_21 = arith.addf %mul3A_16, %add3A_20 : vector<1000x128xf32>
    %max3A = arith.constant 0.000000e+00 : f32
    %max3A_22 = vector.broadcast %max3A : f32 to vector<1000x128xf32>
    %max3A_23 = arith.maximumf %add3A_21, %max3A_22 : vector<1000x128xf32>
    %get3A_24 = arith.constant 0 : index
    %get3A_25 = arith.constant 0 : index
    %get3A_26 = vector.load %arg5[%get3A_24, %get3A_25] : memref<128x64xf32, #tpu.memory_space<vmem>>, vector<128x64xf32>
    %dot_general3A = arith.constant dense<0.000000e+00> : vector<1000x64xf32>
    %dot_general3A_27 = tpu.matmul %max3A_23, %get3A_26, %dot_general3A {dimension_numbers = #tpu.dot_dimension_numbers<[1], [0], [0], [1], [0, 0, 1, 1], [], []>, transpose_lhs_hint = false} : vector<1000x128xf32>, vector<128x64xf32>, vector<1000x64xf32> -> vector<1000x64xf32>
    %get3A_28 = arith.constant 0 : index
    %get3A_29 = arith.constant 0 : index
    %get3A_30 = vector.load %arg3[%get3A_28, %get3A_29] : memref<1000x1xf32, #tpu.memory_space<vmem>>, vector<1000x1xf32>
    %mul3A_31 = vector.broadcast %get3A_30 : vector<1000x1xf32> to vector<1000x64xf32>
    %mul3A_32 = arith.mulf %dot_general3A_27, %mul3A_31 : vector<1000x64xf32>
    %swap3A = arith.constant 0 : index
    %swap3A_33 = arith.constant 0 : index
    %swap3A_34 = vector.load %arg6[%swap3A, %swap3A_33] : memref<1000x64xf32, #tpu.memory_space<vmem>>, vector<1000x64xf32>
    tpu.vector_store %arg6[%swap3A, %swap3A_33], %mul3A_32 {strides = array<i32>} : memref<1000x64xf32, #tpu.memory_space<vmem>>, vector<1000x64xf32>,
    return
  }
  func.func @transform_0(%arg0: i32) -> (i32, i32, i32) {
    %c0_i32 = arith.constant 0 : i32
    %c0_i32_0 = arith.constant 0 : i32
    %c0_i32_1 = arith.constant 0 : i32
    return %c0_i32, %arg0, %c0_i32_0 : i32, i32, i32
  }
  func.func @transform_1(%arg0: i32) -> (i32, i32) {
    %c0_i32 = arith.constant 0 : i32
    %c0_i32_0 = arith.constant 0 : i32
    return %arg0, %c0_i32 : i32, i32
  }
  func.func @transform_2(%arg0: i32) -> (i32, i32) {
    %c0_i32 = arith.constant 0 : i32
    %c0_i32_0 = arith.constant 0 : i32
    return %arg0, %c0_i32 : i32, i32
  }
  func.func @transform_3(%arg0: i32) -> (i32, i32) {
    %c0_i32 = arith.constant 0 : i32
    %c0_i32_0 = arith.constant 0 : i32
    %c0_i32_1 = arith.constant 0 : i32
    return %c0_i32, %c0_i32_0 : i32, i32
  }
  func.func @transform_4(%arg0: i32) -> (i32, i32) {
    %c0_i32 = arith.constant 0 : i32
    %c0_i32_0 = arith.constant 0 : i32
    %c0_i32_1 = arith.constant 0 : i32
    return %c0_i32, %c0_i32_0 : i32, i32
  }
  func.func @transform_5(%arg0: i32) -> (i32, i32) {
    %c0_i32 = arith.constant 0 : i32
    %c0_i32_0 = arith.constant 0 : i32
    return %arg0, %c0_i32 : i32, i32
  }
}

module attributes {stable_mosaic.version = 14 : i64} {
  func.func @body(%arg0: i32, %arg1: memref<2x1000x64xf32, #tpu.memory_space<vmem>>, %arg2: memref<1000x64xf32, #tpu.memory_space<vmem>>, %arg3: memref<1000x1xf32, #tpu.memory_space<vmem>>, %arg4: memref<1x64xf32, #tpu.memory_space<vmem>>, %arg5: memref<1000x64xf32, #tpu.memory_space<vmem>>) attributes {dimension_semantics = [#tpu.dimension_semantics<arbitrary>], iteration_bounds = array<i64: 10>, scalar_prefetch = 0 : i64, scratch_operands = 0 : i64, tpu.core_type = #tpu.core_type<tc>, window_params = [{transform_indices = @transform_0, window_bounds = array<i64: 2, 1000, 64>}, {transform_indices = @transform_1, window_bounds = array<i64: 1000, 64>}, {transform_indices = @transform_2, window_bounds = array<i64: 1000, 1>}, {pipeline_mode = #tpu.pipeline_mode<synchronous>, transform_indices = @transform_3, window_bounds = array<i64: 1, 64>}, {transform_indices = @transform_4, window_bounds = array<i64: 1000, 64>}]} {
    %get3A = arith.constant 0 : index
    %get3A_0 = arith.constant 0 : index
    %get3A_1 = arith.constant 0 : index
    %get3A_2 = vector.load %arg1[%get3A, %get3A_0, %get3A_1] : memref<2x1000x64xf32, #tpu.memory_space<vmem>>, vector<1x1000x64xf32>
    %get3A_3 = vector.shape_cast %get3A_2 : vector<1x1000x64xf32> to vector<1000x64xf32>
    %get3A_4 = arith.constant 1 : index
    %get3A_5 = arith.constant 0 : index
    %get3A_6 = arith.constant 0 : index
    %get3A_7 = vector.load %arg1[%get3A_4, %get3A_5, %get3A_6] : memref<2x1000x64xf32, #tpu.memory_space<vmem>>, vector<1x1000x64xf32>
    %get3A_8 = vector.shape_cast %get3A_7 : vector<1x1000x64xf32> to vector<1000x64xf32>
    %add3A = arith.addf %get3A_3, %get3A_8 : vector<1000x64xf32>
    %get3A_9 = arith.constant 0 : index
    %get3A_10 = arith.constant 0 : index
    %get3A_11 = vector.load %arg2[%get3A_9, %get3A_10] : memref<1000x64xf32, #tpu.memory_space<vmem>>, vector<1000x64xf32>
    %add3A_12 = arith.addf %add3A, %get3A_11 : vector<1000x64xf32>
    %get3A_13 = arith.constant 0 : index
    %get3A_14 = arith.constant 0 : index
    %get3A_15 = vector.load %arg3[%get3A_13, %get3A_14] : memref<1000x1xf32, #tpu.memory_space<vmem>>, vector<1000x1xf32>
    %mul3A = vector.broadcast %get3A_15 : vector<1000x1xf32> to vector<1000x64xf32>
    %mul3A_16 = arith.mulf %add3A_12, %mul3A : vector<1000x64xf32>
    %get3A_17 = arith.constant 0 : index
    %get3A_18 = arith.constant 0 : index
    %get3A_19 = vector.load %arg4[%get3A_17, %get3A_18] : memref<1x64xf32, #tpu.memory_space<vmem>>, vector<1x64xf32>
    %add3A_20 = vector.broadcast %get3A_19 : vector<1x64xf32> to vector<1000x64xf32>
    %add3A_21 = arith.addf %mul3A_16, %add3A_20 : vector<1000x64xf32>
    %reduce_max3A = arith.constant dense<0xFF800000> : vector<1000xf32>
    %reduce_max3A_22 = vector.multi_reduction <maximumf>, %add3A_21, %reduce_max3A [1] : vector<1000x64xf32> to vector<1000xf32>
    %broadcast_in_dim3A = vector.shape_cast %reduce_max3A_22 : vector<1000xf32> to vector<1000x1xf32>
    %sub3A = vector.broadcast %broadcast_in_dim3A : vector<1000x1xf32> to vector<1000x64xf32>
    %sub3A_23 = arith.subf %add3A_21, %sub3A : vector<1000x64xf32>
    %exp3A = math.exp %sub3A_23 : vector<1000x64xf32>
    %reduce_sum3A = arith.constant dense<0.000000e+00> : vector<1000xf32>
    %reduce_sum3A_24 = vector.multi_reduction <add>, %exp3A, %reduce_sum3A [1] : vector<1000x64xf32> to vector<1000xf32>
    %broadcast_in_dim3A_25 = vector.shape_cast %reduce_sum3A_24 : vector<1000xf32> to vector<1000x1xf32>
    %log3A = math.log %broadcast_in_dim3A_25 : vector<1000x1xf32>
    %add3A_26 = arith.addf %log3A, %broadcast_in_dim3A : vector<1000x1xf32>
    %sub3A_27 = vector.broadcast %add3A_26 : vector<1000x1xf32> to vector<1000x64xf32>
    %sub3A_28 = arith.subf %add3A_21, %sub3A_27 : vector<1000x64xf32>
    %swap3A = arith.constant 0 : index
    %swap3A_29 = arith.constant 0 : index
    %swap3A_30 = vector.load %arg5[%swap3A, %swap3A_29] : memref<1000x64xf32, #tpu.memory_space<vmem>>, vector<1000x64xf32>
    tpu.vector_store %arg5[%swap3A, %swap3A_29], %sub3A_28 {strides = array<i32>} : memref<1000x64xf32, #tpu.memory_space<vmem>>, vector<1000x64xf32>,
    return
  }
  func.func @transform_0(%arg0: i32) -> (i32, i32, i32) {
    %c0_i32 = arith.constant 0 : i32
    %c0_i32_0 = arith.constant 0 : i32
    %c0_i32_1 = arith.constant 0 : i32
    return %c0_i32, %arg0, %c0_i32_0 : i32, i32, i32
  }
  func.func @transform_1(%arg0: i32) -> (i32, i32) {
    %c0_i32 = arith.constant 0 : i32
    %c0_i32_0 = arith.constant 0 : i32
    return %arg0, %c0_i32 : i32, i32
  }
  func.func @transform_2(%arg0: i32) -> (i32, i32) {
    %c0_i32 = arith.constant 0 : i32
    %c0_i32_0 = arith.constant 0 : i32
    return %arg0, %c0_i32 : i32, i32
  }
  func.func @transform_3(%arg0: i32) -> (i32, i32) {
    %c0_i32 = arith.constant 0 : i32
    %c0_i32_0 = arith.constant 0 : i32
    %c0_i32_1 = arith.constant 0 : i32
    return %c0_i32, %c0_i32_0 : i32, i32
  }
  func.func @transform_4(%arg0: i32) -> (i32, i32) {
    %c0_i32 = arith.constant 0 : i32
    %c0_i32_0 = arith.constant 0 : i32
    return %arg0, %c0_i32 : i32, i32
  }
}

</mosaic_0001>

<sc_bundles>
// kernel: kernel.12.cloned.1.call-start
scs
__scs_entry_jumppad:
0x0: {  	(pc) =	sbr.rel $0x88, $3  }
0x1: {  	(tag) =	ssettag $0x0;
	lr =	simm.s32 $0x1  }
0x2: {  	[smem:$0x3F9B] =	sst lr;
	_ =	strace $0xD0000000  }
0x3: {  	_ = 	snop  }
0x4: {  	_ = 	snop  }
0x5: {  	_ = 	snop  }
0x6: {  	_ = 	snop  }
0x7: {  	_ = 	snop  }
__scs_overlays_trampoline_lowered:
0x8: {  	[smem:$0x3FAA] =	sst s0  }
0x9: {  	[smem:$0x3FAB] =	sst s1  }
0xa: {  	[smem:$0x3FAC] =	sst s2  }
0xb: {  	[smem:$0x3FAD] =	sst s3  }
0xc: {  	[smem:$0x3FAE] =	sst s4  }
0xd: {  	[smem:$0x3FAF] =	sst s5  }
0xe: {  	[smem:$0x3FB0] =	sst s6  }
0xf: {  	[smem:$0x3FB1] =	sst s7  }
0x10: {  	[smem:$0x3FB2] =	sst s8  }
0x11: {  	[smem:$0x3FB3] =	sst s9;
	s0 =	simm.s32 @!p0 $0x0  }
0x12: {  	s1 =	sld [smem:$0x3F99];
	s0 =	simm.s32 @p0 $0x1  }
0x13: {  	[smem:$0x3FB4] =	sst s0;
	s0 =	simm.s32 @!p1 $0x0  }
0x14: {  	s2 =	sld [smem:$0x3F98];
	s0 =	simm.s32 @p1 $0x1  }
0x15: {  	[smem:$0x3FB5] =	sst s0;
	s0 =	simm.s32 @!p2 $0x0  }
0x16: {  	s3 =	sld [smem:$0x3FDB];
	s0 =	simm.s32 @p2 $0x1  }
0x17: {  	s4 =	simm.s32 $0x1BF5;
	[smem:$0x3FB7] =	sst s0  }
0x18: {  	s0 =	sld [smem:$0x3F9A];
	_ =	swait.ge [sflag:s4], $0x0  }
0x19: {  	s7 =	sld [smem:$0x3F9B]  }
0x1a: {  	s8 =	sadd.s32 $0xFFFFE003, lr  }
0x1b: {  	s9 =	sadd.s32 $0xFFFFFEF7, lr;
	s5 =	simm.s32 $0xFFFFFFFF;
	p2 =	slt.u32 s8, $0xFFFFF086  }
0x1c: {  	p1 =	slt.u32 s9, $0xF7A;
	s5 =	simm.s32 @!p2 $0x0  }
0x1d: {  	s5 =	simm.s32 @p1 $0x1;
	p0 =	seq.s32 s7, s2  }
0x1e: {  	s7 =	smul.u32 @!p0 $0xF7A, s2;
	p2 =	seq.s32 @!p0 s5, $0x0  }
0x1f: {  	s9 =	smul.u32 $0xF7A, s1;
	s8 =	simm.s32 @!p0 $0x1BF5;
	p2 =	por !p2, p0  }
0x20: {  	[sflag:s8] =	ssyncset.s32 @!p0 $0xFFFFF086;
	s6 =	sadd.s32 @!p0 s3, s7;
	s7 =	simm.s32 @!p0 $0x108  }
0x21: {  	s3 =	sadd.s32 s3, s9;
	s6 =	sadd.s32 @!p0 $0x88, s6;
	s7 =	simm.s32 @p2 $0x1082  }
0x22: {  	[simem:s7], [sflag:s8] =	dma.local @!p0 [hbm:s6], $0xF7A  }
0x23: {  	s9 =	sor.u32 $0xD0000000, s2;
	s6 =	simm.s32 $0x108;
	_ =	swait.ge @!p0 [sflag:s8], $0x0  }
0x24: {  	s3 =	sadd.s32 $0x88, s3;
	s6 =	simm.s32 @!p1 $0x1082;
	[sflag:s4] =	ssyncset.s32 $0xFFFFF086  }
0x25: {  	[simem:s6], [sflag:s4] =	dma.local [hbm:s3], $0xF7A  }
0x26: {  	[smem:$0x3F9B] =	sst s1;
	(tag) =	ssettag s2;
	_ =	strace s9  }
0x27: {  	s1 =	sld [smem:$0x3FAB]  }
0x28: {  	s2 =	sld [smem:$0x3FAC]  }
0x29: {  	s4 =	sld [smem:$0x3FAE]  }
0x2a: {  	p0 =	seq.s32 s5, $0x0;
	s5 =	sld [smem:$0x3FAF]  }
0x2b: {  	s6 =	sld [smem:$0x3FB0]  }
0x2c: {  	s7 =	sld [smem:$0x3FB1]  }
0x2d: {  	s3 =	simm.s32 $0x108;
	s8 =	sld [smem:$0x3FB2]  }
0x2e: {  	s3 =	simm.s32 @!p0 $0x1082;
	s9 =	sld [smem:$0x3FB3]  }
0x2f: {  	lr =	sadd.s32 s0, s3;
	s0 =	sld [smem:$0x3FAA]  }
0x30: {  	s3 =	sld [smem:$0x3FAD]  }
0x31: {  	[smem:$0x3FB6] =	sst s10  }
0x32: {  	s10 =	sld [smem:$0x3FB4];
	_ =	sdelay $0x3  }
0x33: {  	p0 =	seq.s32 s10, $0x1;
	s10 =	sld [smem:$0x3FB6];
	_ =	sdelay $0x3  }
0x34: {  	[smem:$0x3FB6] =	sst s10  }
0x35: {  	s10 =	sld [smem:$0x3FB5];
	_ =	sdelay $0x3  }
0x36: {  	p1 =	seq.s32 s10, $0x1;
	s10 =	sld [smem:$0x3FB6];
	_ =	sdelay $0x3  }
0x37: {  	[smem:$0x3FB6] =	sst s10  }
0x38: {  	s10 =	sld [smem:$0x3FB7]  }
0x39: {  	_ = 	snop;
	(pc) =	sbr.ind lr, $3  }
0x3a: {  	_ = 	snop  }
0x3b: {  	_ = 	snop  }
0x3c: {  	p2 =	seq.s32 s10, $0x1;
	s10 =	sld [smem:$0x3FB6]  }
0x3d: {  	_ =	shalt  }
0x3e: {  	_ =	shalt  }
0x3f: {  	_ =	shalt  }
0x40: {  	_ =	shalt  }
0x41: {  	_ =	shalt  }
0x42: {  	_ =	shalt  }
0x43: {  	_ =	shalt  }
0x44: {  	_ =	shalt  }
0x45: {  	_ =	shalt  }
0x46: {  	_ =	shalt  }
0x47: {  	_ =	shalt  }
0x48: {  	_ =	shalt  }
0x49: {  	_ =	shalt  }
0x4a: {  	_ =	shalt  }
0x4b: {  	_ =	shalt  }
0x4c: {  	_ =	shalt  }
0x4d: {  	_ =	shalt  }
0x4e: {  	_ =	shalt  }
0x4f: {  	_ =	shalt  }
0x50: {  	_ =	shalt  }
0x51: {  	_ =	shalt  }
0x52: {  	_ =	shalt  }
0x53: {  	_ =	shalt  }
0x54: {  	_ =	shalt  }
0x55: {  	_ =	shalt  }
0x56: {  	_ =	shalt  }
0x57: {  	_ =	shalt  }
0x58: {  	_ =	shalt  }
0x59: {  	_ =	shalt  }
0x5a: {  	_ =	shalt  }
0x5b: {  	_ =	shalt  }
0x5c: {  	_ =	shalt  }
0x5d: {  	_ =	shalt  }
0x5e: {  	_ =	shalt  }
0x5f: {  	_ =	shalt  }
0x60: {  	_ =	shalt  }
0x61: {  	_ =	shalt  }
0x62: {  	_ =	shalt  }
0x63: {  	_ =	shalt  }
0x64: {  	_ =	shalt  }
0x65: {  	_ =	shalt  }
0x66: {  	_ =	shalt  }
0x67: {  	_ =	shalt  }
0x68: {  	_ =	shalt  }
0x69: {  	_ =	shalt  }
0x6a: {  	_ =	shalt  }
0x6b: {  	_ =	shalt  }
0x6c: {  	_ =	shalt  }
0x6d: {  	_ =	shalt  }
0x6e: {  	_ =	shalt  }
0x6f: {  	_ =	shalt  }
0x70: {  	_ =	shalt  }
0x71: {  	_ =	shalt  }
0x72: {  	_ =	shalt  }
0x73: {  	_ =	shalt  }
0x74: {  	_ =	shalt  }
0x75: {  	_ =	shalt  }
0x76: {  	_ =	shalt  }
0x77: {  	_ =	shalt  }
0x78: {  	_ =	shalt  }
0x79: {  	_ =	shalt  }
0x7a: {  	_ =	shalt  }
0x7b: {  	_ =	shalt  }
0x7c: {  	_ =	shalt  }
0x7d: {  	_ =	shalt  }
0x7e: {  	_ =	shalt  }
0x7f: {  	_ =	shalt  }
0x80: {  	_ =	shalt  }
0x81: {  	_ =	shalt  }
0x82: {  	_ =	shalt  }
0x83: {  	_ =	shalt  }
0x84: {  	_ =	shalt  }
0x85: {  	_ =	shalt  }
0x86: {  	_ =	shalt  }
0x87: {  	_ =	shalt  }
.Lfunc_end0:
.L_simem_size_0:
called_computation.1_lowered:
.L_overlay_start_0:
0x88: {  	s2 =	sld [smem:$0x3FD9]  }
0x89: {  	s3 =	sld [smem:$0x3FFE];
	_ =	sdelay $0x1  }
0x8a: {  	s1 =	srdreg.scid  }
0x8b: {  	s0 =	sand.u32 $0x1, s1  }
0x8c: {  	s16 =	sshll.u32 s0, $0xA;
	s2 =	sadd.s32 s3, s2  }
0x8d: {  	s2 =	sadd.s32 s2, s16  }
0x8e: {  	[smem:$0x3FC2] =	sst s2  }
0x8f: {  	_ = 	snop  }
0x90: {  	(tm) =	ssettm $0x1  }
0x91: {  	s17 =	sld [smem:$0x3FFB];
	_ =	sdelay $0x3  }
0x92: {  	_ =	strace s17  }
0x93: {  	s2 =	sld [smem:$0x3FFC];
	_ =	sdelay $0x3  }
0x94: {  	_ =	strace s2  }
0x95: {  	s2 =	sld [smem:$0x3FFD];
	_ =	sdelay $0x3  }
0x96: {  	_ =	strace s2  }
0x97: {  	_ =	strace $0x8FFFFFFF  }
0x98: {  	s18 =	sld [smem:$0x3FDB];
	_ =	sdelay $0x1  }
0x99: {  	s19 =	simm.s32 $_scs_section_size  }
0x9a: {  	s4 =	simm.s32 $_size__tile_overlayer_lowered;
	s5 =	simm.s32 $_tile_overlayer_lowered  }
0x9b: {  	s22 =	simm.s32 $0x1BFF;
	s21 =	sshll.u32 s5, $0x1;
	s2 =	sadd.s32 s19, s18  }
0x9c: {  	s6 =	simm.s32 $0x0;
	s20 =	sshll.u32 s4, $0x1;
	s4 =	sadd.s32 s21, s2  }
0x9d: {  	[timem:s6], [sflag:s22] =	dma.local [hbm:s4], s20  }
0x9e: {  	_ =	swait.ge [sflag:s22], s20  }
0x9f: {  	s3 =	ssub.s32 $0x0, s20;
	[sflag:s22] =	ssyncset.done $0x0  }
0xa0: {  	[sflag:s22] =	ssyncadd.s32 s3;
	_ =	sdelay $0x1  }
0xa1: {  	s23 =	simm.s32 $0x1B8B  }
0xa2: {  	_ =	swait.ge [sflag:s23], $0x1  }
0xa3: {  	[sflag:s23] =	ssyncset.done $0x0  }
0xa4: {  	s25 =	simm.s32 $0x1B8E;
	s24 =	sld [smem:$0x3FFE];
	[sflag:s23] =	ssyncadd.s32 $0xFFFFFFFF  }
0xa5: {  	s26 =	simm.s32 $execute0_lowered;
	[smem:$0x3FD2] =	sst s25  }
0xa6: {  	s4 =	sshll.u32 s26, $0x1;
	_ =	strace $0x80000049;
	[dreg:$0x1] =	wrdreg $0xFFFFFFFF  }
0xa7: {  	s28 =	simm.s32 $_size_execute0_lowered;
	s2 =	sadd.s32 s2, s4;
	[dreg:$0x0] =	wrdreg $0x0  }
0xa8: {  	s4 =	sshll.u32 s28, $0x1;
	[dreg:$0x2] =	wrdreg s2  }
0xa9: {  	[dreg:$0x3] =	wrdreg s4  }
0xaa: {  	[dreg:$0x4] =	wrdreg $0xC0  }
0xab: {  	_ =	task [dreg:s6], $0x5FFFF  }
0xac: {  	[dreg:$0x1] =	wrdreg $0xFFFFFFFF  }
0xad: {  	[dreg:$0x0] =	wrdreg $0x60  }
0xae: {  	[dreg:$0x2] =	wrdreg s24  }
0xaf: {  	[dreg:$0x3] =	wrdreg $0xA8000  }
0xb0: {  	[dreg:$0x4] =	wrdreg $0x9  }
0xb1: {  	_ =	task.clear_ibuf [dreg:s6], $0x5FFFF;
	_ =	strace $0x90000049  }
0xb2: {  	s29 =	simm.s32 $0x9;
	_ =	strace $0x8000004B  }
0xb3: {  	_ =	swait.ge [sflag:s29], $0x1  }
0xb4: {  	[sflag:s29] =	ssyncadd.s32 $0xFFFFFFFF  }
0xb5: {  	_ =	strace $0x9000004B  }
0xb6: {  	_ =	sfence  }
0xb7: {  	s30 =	sld [smem:$0x0];
	_ =	sdelay $0x2  }
0xb8: {  	s31 =	sshll.u32 s1, $0xD;
	s1 =	sshrl.u32 s1, $0x2  }
0xb9: {  	s3 =	sand.u32 $0x4000, s31;
	s1 =	sadd.s32 s1, s30  }
0xba: {  	s0 =	sor.u32 s3, s0;
	s1 =	sshll.u32 s1, $0x11  }
0xbb: {  	s0 =	sor.u32 s1, s0  }
0xbc: {  	s0 =	sadd.s32 $0x8F2B, s0  }
0xbd: {  	[sflag:s0] =	ssyncadd.remote.s32 $0x1  }
0xbe: {  	_ =	sfence.sel $0xFFFF  }
0xbf: {  	[dreg:$0x0] =	wrdreg $0xFFFFFFFF;
	(pc) =	sbr.abs _section_cstart, $3  }
0xc0: {  	[dreg:$0x1] =	wrdreg $0xFFFFFFFF  }
0xc1: {  	_ =	task.clear_ibuf [dreg:s6], $0x2FFFF;
	_ =	strace $0x9FFFFFFF  }
0xc2: {  	(tm) =	ssettm $0x7FFFFFFF  }
0xc3: {  	_ =	shalt  }
tec
execute0_lowered:
.L_overlay_start_1:
0x0: {  	(tag) =	ssettag $0x1  }
0x1: {  	s0 =	srdreg.scid;
	s5 =	rddreg [dreg:$0x0]  }
0x2: {  	s2 =	rddreg [dreg:$0x1];
	s1 =	stileid.u32;
	s3 =	simm.s32 $0x0  }
0x3: {  	s14 =	simm.s32 $0x2800;
	s15 =	simm.s32 $0x3;
	s16 =	simm.s32 $0x80  }
0x4: {  	s17 =	simm.s32 $0x6800;
	s18 =	simm.s32 $0x1;
	s19 =	simm.s32 $0x2  }
0x5: {  	s20 =	simm.s32 $0x2700;
	s21 =	simm.s32 $0x2680;
	s22 =	simm.s32 $0x2780  }
0x6: {  	s6 =	sand.u32 $0x1, s0;
	s0 =	rddreg [dreg:$0x2];
	s8 =	smul.u32 $0x50000, s1  }
0x7: {  	[smem:$0x7FF] =	sst s3;
	s10 =	smul.u32 $0x14000, s1;
	s4 =	sshll.u32 s6, $0x4  }
0x8: {  	s31 =	smul.u32 $0x28000, s6;
	s6 =	ssub.s32 $0x2, s6;
	s4 =	sor.u32 s1, s4  }
0x9: {  	_ =	strace $0x8000004A;
	s9 =	sshrl.u32 s6, $0x1;
	s7 =	smul.u32 $0xA00, s4  }
0xa: {  	s8 =	sshrl.u32 s8, $0x2;
	s24 =	sshrl.u32 s10, $0x3;
	s4 =	sadd.s32 $0x16000, s5  }
0xb: {  	s9 =	ssub.s32 s6, s9;
	s13 =	sadd.s32 s7, s5;
	s7 =	sadd.s32 s31, s5  }
0xc: {  	s6 =	sadd.s32 s10, s2;
	s5 =	sadd.s32 s8, s2;
	s23 =	sadd.s32 $0x3D200, s7  }
0xd: {  	s7 =	smax.u32 s9, $0x1;
	s8 =	sadd.s32 $0x4000, s5;
	s9 =	sadd.s32 $0x8000, s5  }
0xe: {  	s10 =	sadd.s32 $0xC000, s5;
	s11 =	sadd.s32 $0x10000, s5;
	s12 =	sadd.s32 $0x2000, s13  }
0xf: {  	v0 =	vimm.f32 $0.0e+00;
	s13 =	sadd.s32 $0x2500, s13;
	s23 =	sadd.s32 s24, s23;
	s24 =	simm.s32 $0x0  }
.LBB2_1:
0x10: {  	s25 =	simm.s32 $0x0;
	s26 =	simm.s32 $0x200  }
.LBB2_2:
0x11: {  	p0 =	sne.s32 s26, $0xFE00;
	[tilespmem:s25+$0x2870] =	vst v0  }
0x12: {  	[tilespmem:s25+$0x2800] =	vst v0  }
0x13: {  	[tilespmem:s25+$0x2810] =	vst v0  }
.Ltmp0:
0x14: {  	[tilespmem:s25+$0x2820] =	vst v0;
	(pc) =	sbr.rel @p0 .LBB2_2-.Ltmp0, $4  }
0x15: {  	[tilespmem:s25+$0x2830] =	vst v0  }
0x16: {  	[tilespmem:s25+$0x2840] =	vst v0  }
0x17: {  	[tilespmem:s25+$0x2850] =	vst v0  }
0x18: {  	[tilespmem:s25+$0x2860] =	vst v0;
	s25 =	sshra.s32 s26, $0x2;
	s26 =	sadd.s32 $0x200, s26  }
0x19: {  	[tilespmem:s25+$0x2870] =	vst v0  }
0x1a: {  	[tilespmem:s25+$0x2800] =	vst v0  }
0x1b: {  	[tilespmem:s25+$0x2810] =	vst v0  }
0x1c: {  	[tilespmem:s25+$0x2820] =	vst v0  }
0x1d: {  	[tilespmem:s25+$0x2830] =	vst v0  }
0x1e: {  	[tilespmem:s25+$0x2840] =	vst v0  }
0x1f: {  	[tilespmem:s25+$0x2850] =	vst v0  }
0x20: {  	[tilespmem:s25+$0x2860] =	vst v0  }
0x21: {  	[spmem:s5] =	stream.linear.scatter [tilespmem:s14], [sflag:$0x3], $0x4000, $0x38;
	[tilespmem:$0x1E800] =	vst v63  }
0x22: {  	_ =	swait.ge [sflag:s15], $0x4000  }
0x23: {  	[sflag:s15] =	ssyncset.done $0x0  }
0x24: {  	[sflag:s15] =	ssyncadd.s32 $0xFFFFC000  }
0x25: {  	[spmem:s8] =	stream.linear.scatter [tilespmem:s14], [sflag:$0x3], $0x4000, $0x38;
	[tilespmem:$0x1E800] =	vst v63  }
0x26: {  	_ =	swait.ge [sflag:s15], $0x4000  }
0x27: {  	[sflag:s15] =	ssyncset.done $0x0  }
0x28: {  	[sflag:s15] =	ssyncadd.s32 $0xFFFFC000  }
0x29: {  	[spmem:s9] =	stream.linear.scatter [tilespmem:s14], [sflag:$0x3], $0x4000, $0x38;
	[tilespmem:$0x1E800] =	vst v63  }
0x2a: {  	_ =	swait.ge [sflag:s15], $0x4000  }
0x2b: {  	[sflag:s15] =	ssyncset.done $0x0  }
0x2c: {  	[sflag:s15] =	ssyncadd.s32 $0xFFFFC000  }
0x2d: {  	[spmem:s10] =	stream.linear.scatter [tilespmem:s14], [sflag:$0x3], $0x4000, $0x38;
	[tilespmem:$0x1E800] =	vst v63  }
0x2e: {  	_ =	swait.ge [sflag:s15], $0x4000  }
0x2f: {  	[sflag:s15] =	ssyncset.done $0x0  }
0x30: {  	[sflag:s15] =	ssyncadd.s32 $0xFFFFC000  }
0x31: {  	[spmem:s11] =	stream.linear.scatter [tilespmem:s14], [sflag:$0x3], $0x4000, $0x38;
	[tilespmem:$0x1E800] =	vst v63  }
0x32: {  	_ =	swait.ge [sflag:s15], $0x4000  }
0x33: {  	[sflag:s15] =	ssyncset.done $0x0  }
0x34: {  	[sflag:s15] =	ssyncadd.s32 $0xFFFFC000  }
0x35: {  	[bflag:$0x0] =	sbarrier.arrive $0xFFFF  }
0x36: {  	[tilespmem:s3], [sflag:$0x3] =	stream.linear.gather [hbm4b:s12+s3], $0x2800, $0x38;
	[tilespmem:$0x1E800] =	vst v63  }
0x37: {  	_ =	swait.ge [sflag:s15], $0x2800  }
0x38: {  	[sflag:s15] =	ssyncset.done $0x0  }
0x39: {  	[sflag:s15] =	ssyncadd.s32 $0xFFFFD800  }
0x3a: {  	[tilespmem:s14], [sflag:$0x1] =	stream.indirect.gather [hbm4b:s4+s16], $0x80, s3, s16, $0xb8;
	[tilespmem:$0x1E800] =	vst v63  }
0x3b: {  	s28 =	simm.s32 $0x100  }
0x3c: {  	[tilespmem:s17], [sflag:$0x2] =	stream.indirect.gather [hbm4b:s4+s16], $0x80, s28, s16, $0xb8;
	[tilespmem:$0x1E800] =	vst v63  }
0x3d: {  	_ =	swait.ge [sflag:s18], $0x4000  }
0x3e: {  	[sflag:s18] =	ssyncset.done $0x0  }
0x3f: {  	s29 =	simm.s32 $0x80;
	[sflag:s18] =	ssyncadd.s32 $0xFFFFC000  }
0x40: {  	[spmem:s2] =	stream.indirect.scatter.add.f32 [tilespmem:s14], [sflag:$0x3], $0x80, s29, s16, $0xb8;
	[tilespmem:$0x1E800] =	vst v63  }
0x41: {  	_ =	swait.ge [sflag:s15], $0x4000  }
0x42: {  	[sflag:s15] =	ssyncset.done $0x0  }
0x43: {  	s30 =	simm.s32 $0x200;
	[sflag:s15] =	ssyncadd.s32 $0xFFFFC000  }
0x44: {  	[tilespmem:s14], [sflag:$0x1] =	stream.indirect.gather [hbm4b:s4+s16], $0x80, s30, s16, $0xb8;
	[tilespmem:$0x1E800] =	vst v63  }
0x45: {  	_ =	swait.ge [sflag:s19], $0x4000  }
0x46: {  	[sflag:s19] =	ssyncset.done $0x0  }
0x47: {  	s31 =	simm.s32 $0x180;
	[sflag:s19] =	ssyncadd.s32 $0xFFFFC000  }
0x48: {  	[spmem:s2] =	stream.indirect.scatter.add.f32 [tilespmem:s17], [sflag:$0x3], $0x80, s31, s16, $0xb8;
	[tilespmem:$0x1E800] =	vst v63  }
0x49: {  	_ =	swait.ge [sflag:s15], $0x4000  }
0x4a: {  	s26 =	simm.s32 $0xFFFF7800;
	s25 =	simm.s32 $0xFFFFDC00;
	[sflag:s15] =	ssyncset.done $0x0  }
.LBB2_4:
0x4b: {  	s28 =	sadd.s32 $0x2700, s25  }
0x4c: {  	[sflag:s15] =	ssyncadd.s32 $0xFFFFC000;
	s29 =	smov.u32 s26;
	s30 =	sadd.s32 $0x800, s26  }
0x4d: {  	[tilespmem:s17], [sflag:$0x2] =	stream.indirect.gather [hbm4b:s4+s16], $0x80, s28, s16, $0xb8;
	[tilespmem:$0x1E800] =	vst v63  }
0x4e: {  	p0 =	sne.s32 s26, $0xFFFFF800;
	_ =	swait.ge [sflag:s18], $0x4000  }
0x4f: {  	[sflag:s18] =	ssyncset.done $0x0  }
0x50: {  	s26 =	sadd.s32 $0x2680, s25;
	[sflag:s18] =	ssyncadd.s32 $0xFFFFC000  }
0x51: {  	[spmem:s2] =	stream.indirect.scatter.add.f32 [tilespmem:s14], [sflag:$0x3], $0x80, s26, s16, $0xb8;
	[tilespmem:$0x1E800] =	vst v63  }
0x52: {  	_ =	swait.ge [sflag:s15], $0x4000  }
0x53: {  	[sflag:s15] =	ssyncset.done $0x0  }
0x54: {  	s26 =	sadd.s32 $0x2800, s25;
	[sflag:s15] =	ssyncadd.s32 $0xFFFFC000  }
0x55: {  	[tilespmem:s14], [sflag:$0x1] =	stream.indirect.gather [hbm4b:s4+s16], $0x80, s26, s16, $0xb8;
	[tilespmem:$0x1E800] =	vst v63  }
0x56: {  	_ =	swait.ge [sflag:s19], $0x4000  }
.Ltmp1:
0x57: {  	[sflag:s19] =	ssyncset.done $0x0;
	(pc) =	sbr.rel @p0 .LBB2_4-.Ltmp1, $4  }
0x58: {  	s25 =	sadd.s32 $0x2780, s25;
	[sflag:s19] =	ssyncadd.s32 $0xFFFFC000  }
0x59: {  	[spmem:s2] =	stream.indirect.scatter.add.f32 [tilespmem:s17], [sflag:$0x3], $0x80, s25, s16, $0xb8;
	[tilespmem:$0x1E800] =	vst v63  }
0x5a: {  	_ =	swait.ge [sflag:s15], $0x4000  }
0x5b: {  	s26 =	smov.u32 s30;
	s25 =	sshra.s32 s29, $0x2;
	[sflag:s15] =	ssyncset.done $0x0  }
0x5c: {  	s26 =	sadd.s32 $0x2700, s25;
	[sflag:s15] =	ssyncadd.s32 $0xFFFFC000  }
0x5d: {  	[tilespmem:s17], [sflag:$0x2] =	stream.indirect.gather [hbm4b:s4+s16], $0x80, s26, s16, $0xb8;
	[tilespmem:$0x1E800] =	vst v63  }
0x5e: {  	_ =	swait.ge [sflag:s18], $0x4000  }
0x5f: {  	[sflag:s18] =	ssyncset.done $0x0  }
0x60: {  	s30 =	sadd.s32 $0x2680, s25;
	[sflag:s18] =	ssyncadd.s32 $0xFFFFC000  }
0x61: {  	[spmem:s2] =	stream.indirect.scatter.add.f32 [tilespmem:s14], [sflag:$0x3], $0x80, s30, s16, $0xb8;
	[tilespmem:$0x1E800] =	vst v63  }
0x62: {  	_ =	swait.ge [sflag:s15], $0x4000  }
0x63: {  	[sflag:s15] =	ssyncset.done $0x0  }
0x64: {  	s31 =	sadd.s32 $0x2800, s25;
	[sflag:s15] =	ssyncadd.s32 $0xFFFFC000  }
0x65: {  	[tilespmem:s14], [sflag:$0x1] =	stream.indirect.gather [hbm4b:s4+s16], $0x80, s31, s16, $0xb8;
	[tilespmem:$0x1E800] =	vst v63  }
0x66: {  	_ =	swait.ge [sflag:s19], $0x4000  }
0x67: {  	[sflag:s19] =	ssyncset.done $0x0  }
0x68: {  	s26 =	sadd.s32 $0x2780, s25;
	[sflag:s19] =	ssyncadd.s32 $0xFFFFC000  }
0x69: {  	[spmem:s2] =	stream.indirect.scatter.add.f32 [tilespmem:s17], [sflag:$0x3], $0x80, s26, s16, $0xb8;
	[tilespmem:$0x1E800] =	vst v63  }
0x6a: {  	_ =	swait.ge [sflag:s15], $0x4000  }
0x6b: {  	[sflag:s15] =	ssyncset.done $0x0  }
0x6c: {  	[sflag:s15] =	ssyncadd.s32 $0xFFFFC000  }
0x6d: {  	[tilespmem:s17], [sflag:$0x2] =	stream.indirect.gather [hbm4b:s4+s16], $0x80, s20, s16, $0xb8;
	[tilespmem:$0x1E800] =	vst v63  }
0x6e: {  	_ =	swait.ge [sflag:s18], $0x4000  }
0x6f: {  	[sflag:s18] =	ssyncset.done $0x0  }
0x70: {  	[sflag:s18] =	ssyncadd.s32 $0xFFFFC000  }
0x71: {  	[spmem:s2] =	stream.indirect.scatter.add.f32 [tilespmem:s14], [sflag:$0x3], $0x80, s21, s16, $0xb8;
	[tilespmem:$0x1E800] =	vst v63  }
0x72: {  	_ =	swait.ge [sflag:s15], $0x4000  }
0x73: {  	[sflag:s15] =	ssyncset.done $0x0  }
0x74: {  	[sflag:s15] =	ssyncadd.s32 $0xFFFFC000  }
0x75: {  	_ =	swait.ge [sflag:s19], $0x4000  }
0x76: {  	[sflag:s19] =	ssyncset.done $0x0  }
0x77: {  	[sflag:s19] =	ssyncadd.s32 $0xFFFFC000  }
0x78: {  	[spmem:s2] =	stream.indirect.scatter.add.f32 [tilespmem:s17], [sflag:$0x3], $0x80, s22, s16, $0xb8;
	[tilespmem:$0x1E800] =	vst v63  }
0x79: {  	_ =	swait.ge [sflag:s15], $0x4000  }
0x7a: {  	[sflag:s15] =	ssyncset.done $0x0  }
0x7b: {  	[sflag:s15] =	ssyncadd.s32 $0xFFFFC000  }
0x7c: {  	[tilespmem:s3], [sflag:$0x3] =	stream.linear.gather [hbm4b:s13+s3], $0x2800, $0x38;
	[tilespmem:$0x1E800] =	vst v63  }
0x7d: {  	_ =	swait.ge [sflag:s15], $0x2800  }
0x7e: {  	[sflag:s15] =	ssyncset.done $0x0  }
0x7f: {  	[sflag:s15] =	ssyncadd.s32 $0xFFFFD800  }
0x80: {  	[tilespmem:s14], [sflag:$0x1] =	stream.indirect.gather [hbm4b:s4+s16], $0x80, s3, s16, $0xb8;
	[tilespmem:$0x1E800] =	vst v63  }
0x81: {  	s28 =	simm.s32 $0x100  }
0x82: {  	[tilespmem:s17], [sflag:$0x2] =	stream.indirect.gather [hbm4b:s4+s16], $0x80, s28, s16, $0xb8;
	[tilespmem:$0x1E800] =	vst v63  }
0x83: {  	_ =	swait.ge [sflag:s18], $0x4000  }
0x84: {  	[sflag:s18] =	ssyncset.done $0x0  }
0x85: {  	s29 =	simm.s32 $0x80;
	[sflag:s18] =	ssyncadd.s32 $0xFFFFC000  }
0x86: {  	[spmem:s2] =	stream.indirect.scatter.add.f32 [tilespmem:s14], [sflag:$0x3], $0x80, s29, s16, $0xb8;
	[tilespmem:$0x1E800] =	vst v63  }
0x87: {  	_ =	swait.ge [sflag:s15], $0x4000  }
0x88: {  	[sflag:s15] =	ssyncset.done $0x0  }
0x89: {  	s30 =	simm.s32 $0x200;
	[sflag:s15] =	ssyncadd.s32 $0xFFFFC000  }
0x8a: {  	[tilespmem:s14], [sflag:$0x1] =	stream.indirect.gather [hbm4b:s4+s16], $0x80, s30, s16, $0xb8;
	[tilespmem:$0x1E800] =	vst v63  }
0x8b: {  	_ =	swait.ge [sflag:s19], $0x4000  }
0x8c: {  	[sflag:s19] =	ssyncset.done $0x0  }
0x8d: {  	s31 =	simm.s32 $0x180;
	[sflag:s19] =	ssyncadd.s32 $0xFFFFC000  }
0x8e: {  	[spmem:s2] =	stream.indirect.scatter.add.f32 [tilespmem:s17], [sflag:$0x3], $0x80, s31, s16, $0xb8;
	[tilespmem:$0x1E800] =	vst v63  }
0x8f: {  	_ =	swait.ge [sflag:s15], $0x4000  }
0x90: {  	s25 =	simm.s32 $0xFFFFDC00;
	s26 =	simm.s32 $0xFFFF7800;
	[sflag:s15] =	ssyncset.done $0x0  }
.LBB2_6:
0x91: {  	s28 =	sadd.s32 $0x2700, s25  }
0x92: {  	[sflag:s15] =	ssyncadd.s32 $0xFFFFC000;
	s29 =	smov.u32 s26;
	s30 =	sadd.s32 $0x800, s26  }
0x93: {  	[tilespmem:s17], [sflag:$0x2] =	stream.indirect.gather [hbm4b:s4+s16], $0x80, s28, s16, $0xb8;
	[tilespmem:$0x1E800] =	vst v63  }
0x94: {  	p0 =	sne.s32 s26, $0xFFFFF800;
	_ =	swait.ge [sflag:s18], $0x4000  }
0x95: {  	[sflag:s18] =	ssyncset.done $0x0  }
0x96: {  	s26 =	sadd.s32 $0x2680, s25;
	[sflag:s18] =	ssyncadd.s32 $0xFFFFC000  }
0x97: {  	[spmem:s2] =	stream.indirect.scatter.add.f32 [tilespmem:s14], [sflag:$0x3], $0x80, s26, s16, $0xb8;
	[tilespmem:$0x1E800] =	vst v63  }
0x98: {  	_ =	swait.ge [sflag:s15], $0x4000  }
0x99: {  	[sflag:s15] =	ssyncset.done $0x0  }
0x9a: {  	s26 =	sadd.s32 $0x2800, s25;
	[sflag:s15] =	ssyncadd.s32 $0xFFFFC000  }
0x9b: {  	[tilespmem:s14], [sflag:$0x1] =	stream.indirect.gather [hbm4b:s4+s16], $0x80, s26, s16, $0xb8;
	[tilespmem:$0x1E800] =	vst v63  }
0x9c: {  	_ =	swait.ge [sflag:s19], $0x4000  }
.Ltmp2:
0x9d: {  	[sflag:s19] =	ssyncset.done $0x0;
	(pc) =	sbr.rel @p0 .LBB2_6-.Ltmp2, $4  }
0x9e: {  	s25 =	sadd.s32 $0x2780, s25;
	[sflag:s19] =	ssyncadd.s32 $0xFFFFC000  }
0x9f: {  	[spmem:s2] =	stream.indirect.scatter.add.f32 [tilespmem:s17], [sflag:$0x3], $0x80, s25, s16, $0xb8;
	[tilespmem:$0x1E800] =	vst v63  }
0xa0: {  	_ =	swait.ge [sflag:s15], $0x4000  }
0xa1: {  	s26 =	smov.u32 s30;
	s25 =	sshra.s32 s29, $0x2;
	[sflag:s15] =	ssyncset.done $0x0  }
0xa2: {  	s26 =	sadd.s32 $0x2700, s25;
	[sflag:s15] =	ssyncadd.s32 $0xFFFFC000  }
0xa3: {  	[tilespmem:s17], [sflag:$0x2] =	stream.indirect.gather [hbm4b:s4+s16], $0x80, s26, s16, $0xb8;
	[tilespmem:$0x1E800] =	vst v63  }
0xa4: {  	_ =	swait.ge [sflag:s18], $0x4000  }
0xa5: {  	[sflag:s18] =	ssyncset.done $0x0  }
0xa6: {  	s31 =	sadd.s32 $0x2680, s25;
	[sflag:s18] =	ssyncadd.s32 $0xFFFFC000  }
0xa7: {  	[spmem:s2] =	stream.indirect.scatter.add.f32 [tilespmem:s14], [sflag:$0x3], $0x80, s31, s16, $0xb8;
	[tilespmem:$0x1E800] =	vst v63  }
0xa8: {  	_ =	swait.ge [sflag:s15], $0x4000  }
0xa9: {  	[sflag:s15] =	ssyncset.done $0x0  }
0xaa: {  	s28 =	sadd.s32 $0x2800, s25;
	[sflag:s15] =	ssyncadd.s32 $0xFFFFC000  }
0xab: {  	[tilespmem:s14], [sflag:$0x1] =	stream.indirect.gather [hbm4b:s4+s16], $0x80, s28, s16, $0xb8;
	[tilespmem:$0x1E800] =	vst v63  }
0xac: {  	_ =	swait.ge [sflag:s19], $0x4000  }
0xad: {  	[sflag:s19] =	ssyncset.done $0x0  }
0xae: {  	s29 =	sadd.s32 $0x2780, s25;
	[sflag:s19] =	ssyncadd.s32 $0xFFFFC000  }
0xaf: {  	[spmem:s2] =	stream.indirect.scatter.add.f32 [tilespmem:s17], [sflag:$0x3], $0x80, s29, s16, $0xb8;
	[tilespmem:$0x1E800] =	vst v63  }
0xb0: {  	_ =	swait.ge [sflag:s15], $0x4000  }
0xb1: {  	[sflag:s15] =	ssyncset.done $0x0  }
0xb2: {  	[sflag:s15] =	ssyncadd.s32 $0xFFFFC000  }
0xb3: {  	[tilespmem:s17], [sflag:$0x2] =	stream.indirect.gather [hbm4b:s4+s16], $0x80, s20, s16, $0xb8;
	[tilespmem:$0x1E800] =	vst v63  }
0xb4: {  	_ =	swait.ge [sflag:s18], $0x4000  }
0xb5: {  	[sflag:s18] =	ssyncset.done $0x0  }
0xb6: {  	[sflag:s18] =	ssyncadd.s32 $0xFFFFC000  }
0xb7: {  	[spmem:s2] =	stream.indirect.scatter.add.f32 [tilespmem:s14], [sflag:$0x3], $0x80, s21, s16, $0xb8;
	[tilespmem:$0x1E800] =	vst v63  }
0xb8: {  	_ =	swait.ge [sflag:s15], $0x4000  }
0xb9: {  	[sflag:s15] =	ssyncset.done $0x0  }
0xba: {  	[sflag:s15] =	ssyncadd.s32 $0xFFFFC000  }
0xbb: {  	_ =	swait.ge [sflag:s19], $0x4000  }
0xbc: {  	[sflag:s19] =	ssyncset.done $0x0  }
0xbd: {  	[sflag:s19] =	ssyncadd.s32 $0xFFFFC000  }
0xbe: {  	[spmem:s2] =	stream.indirect.scatter.add.f32 [tilespmem:s17], [sflag:$0x3], $0x80, s22, s16, $0xb8;
	[tilespmem:$0x1E800] =	vst v63  }
0xbf: {  	_ =	swait.ge [sflag:s15], $0x4000  }
0xc0: {  	[sflag:s15] =	ssyncset.done $0x0  }
0xc1: {  	[sflag:s15] =	ssyncadd.s32 $0xFFFFC000  }
0xc2: {  	[bflag:$0x0] =	sbarrier.arrive $0xFFFF  }
0xc3: {  	[tilespmem:s14], [sflag:$0x3] =	stream.linear.gather [spmem:s6], $0x4000, $0x38;
	[tilespmem:$0x1E800] =	vst v63  }
0xc4: {  	_ =	swait.ge [sflag:s15], $0x4000  }
0xc5: {  	s30 =	sshll.u32 s1, $0x6;
	s24 =	sadd.s32 $0x1, s24;
	[sflag:s15] =	ssyncset.done $0x0  }
0xc6: {  	s25 =	sor.u32 $0x1C03, s30;
	p0 =	sne.s32 s24, s7;
	[sflag:s15] =	ssyncadd.s32 $0xFFFFC000  }
.Ltmp3:
0xc7: {  	s31 =	sshrl.u32 s6, $0x3;
	[bflag:$0x0] =	sbarrier.arrive $0xFFFF;
	(pc) =	sbr.rel @p0 .LBB2_1-.Ltmp3, $4  }
0xc8: {  	[hbm:s23], [sflag:s25] =	dma.local [spmem:s31], $0x2800  }
0xc9: {  	_ =	swait.ge [sflag:s15], $0x2800  }
0xca: {  	[sflag:s15] =	ssyncset.done $0x0  }
0xcb: {  	[sflag:s15] =	ssyncadd.s32 $0xFFFFD800  }
0xcc: {  	_ =	sfence.sel $0x180000  }
0xcd: {  	[bflag:$0x0] =	sbarrier.arrive $0xFFFF  }
0xce: {  	p0 =	sne.s32 s1, $0x0;
	_ =	strace $0x9000004A  }
0xcf: {  	s0 =	sadd.s32 @!p0 $0x100000, s0;
	[bflag:$0x2] =	sbarrier.arrive $0xFFFF  }
0xd0: {  	[sflag:s0] =	ssyncadd.tile.s32 @!p0 $0x1;
	_ =	shalt  }
.Lfunc_end2:
_tile_overlayer_lowered:
.L_overlay_start_2:
0xd1: {  	(tag) =	ssettag $0x2  }
0xd2: {  	s0 =	rddreg [dreg:$0x0];
	s2 =	stileid.u32  }
0xd3: {  	s1 =	rddreg [dreg:$0x1];
	p0 =	sne.s32 s2, $0x0  }
0xd4: {  	s3 =	rddreg [dreg:$0x2];
	[bflag:$0x3] =	sbarrier.arrive $0xFFFF;
	s2 =	simm.s32 @!p0 $0x1C03  }
0xd5: {  	[timem:s3], [sflag:s2] =	dma.local @!p0 [hbm:s0], s1  }
0xd6: {  	s0 =	simm.s32 @!p0 $0x3  }
0xd7: {  	_ =	swait.ge @!p0 [sflag:s0], s1  }
0xd8: {  	s1 =	ssub.s32 @!p0 $0x0, s1;
	[sflag:s0] =	ssyncset.done @!p0 $0x0  }
0xd9: {  	[sflag:s0] =	ssyncadd.s32 @!p0 s1  }
0xda: {  	[bflag:$0x3] =	sbarrier.arrive $0xFFFF  }
0xdb: {  	_ =	shalt  }

// kernel: kernel.15.cloned.1.call-start
scs
__scs_entry_jumppad:
0x0: {  	(pc) =	sbr.rel $0x88, $3  }
0x1: {  	(tag) =	ssettag $0x0;
	lr =	simm.s32 $0x1  }
0x2: {  	[smem:$0x3F9B] =	sst lr;
	_ =	strace $0xD0000000  }
0x3: {  	_ = 	snop  }
0x4: {  	_ = 	snop  }
0x5: {  	_ = 	snop  }
0x6: {  	_ = 	snop  }
0x7: {  	_ = 	snop  }
__scs_overlays_trampoline_lowered:
0x8: {  	[smem:$0x3FAA] =	sst s0  }
0x9: {  	[smem:$0x3FAB] =	sst s1  }
0xa: {  	[smem:$0x3FAC] =	sst s2  }
0xb: {  	[smem:$0x3FAD] =	sst s3  }
0xc: {  	[smem:$0x3FAE] =	sst s4  }
0xd: {  	[smem:$0x3FAF] =	sst s5  }
0xe: {  	[smem:$0x3FB0] =	sst s6  }
0xf: {  	[smem:$0x3FB1] =	sst s7  }
0x10: {  	[smem:$0x3FB2] =	sst s8  }
0x11: {  	[smem:$0x3FB3] =	sst s9;
	s0 =	simm.s32 @!p0 $0x0  }
0x12: {  	s1 =	sld [smem:$0x3F99];
	s0 =	simm.s32 @p0 $0x1  }
0x13: {  	[smem:$0x3FB4] =	sst s0;
	s0 =	simm.s32 @!p1 $0x0  }
0x14: {  	s2 =	sld [smem:$0x3F98];
	s0 =	simm.s32 @p1 $0x1  }
0x15: {  	[smem:$0x3FB5] =	sst s0;
	s0 =	simm.s32 @!p2 $0x0  }
0x16: {  	s3 =	sld [smem:$0x3FDB];
	s0 =	simm.s32 @p2 $0x1  }
0x17: {  	s4 =	simm.s32 $0x1BF5;
	[smem:$0x3FB7] =	sst s0  }
0x18: {  	s0 =	sld [smem:$0x3F9A];
	_ =	swait.ge [sflag:s4], $0x0  }
0x19: {  	s7 =	sld [smem:$0x3F9B]  }
0x1a: {  	s8 =	sadd.s32 $0xFFFFE003, lr  }
0x1b: {  	s9 =	sadd.s32 $0xFFFFFEF7, lr;
	s5 =	simm.s32 $0xFFFFFFFF;
	p2 =	slt.u32 s8, $0xFFFFF086  }
0x1c: {  	p1 =	slt.u32 s9, $0xF7A;
	s5 =	simm.s32 @!p2 $0x0  }
0x1d: {  	s5 =	simm.s32 @p1 $0x1;
	p0 =	seq.s32 s7, s2  }
0x1e: {  	s7 =	smul.u32 @!p0 $0xF7A, s2;
	p2 =	seq.s32 @!p0 s5, $0x0  }
0x1f: {  	s9 =	smul.u32 $0xF7A, s1;
	s8 =	simm.s32 @!p0 $0x1BF5;
	p2 =	por !p2, p0  }
0x20: {  	[sflag:s8] =	ssyncset.s32 @!p0 $0xFFFFF086;
	s6 =	sadd.s32 @!p0 s3, s7;
	s7 =	simm.s32 @!p0 $0x108  }
0x21: {  	s3 =	sadd.s32 s3, s9;
	s6 =	sadd.s32 @!p0 $0x88, s6;
	s7 =	simm.s32 @p2 $0x1082  }
0x22: {  	[simem:s7], [sflag:s8] =	dma.local @!p0 [hbm:s6], $0xF7A  }
0x23: {  	s9 =	sor.u32 $0xD0000000, s2;
	s6 =	simm.s32 $0x108;
	_ =	swait.ge @!p0 [sflag:s8], $0x0  }
0x24: {  	s3 =	sadd.s32 $0x88, s3;
	s6 =	simm.s32 @!p1 $0x1082;
	[sflag:s4] =	ssyncset.s32 $0xFFFFF086  }
0x25: {  	[simem:s6], [sflag:s4] =	dma.local [hbm:s3], $0xF7A  }
0x26: {  	[smem:$0x3F9B] =	sst s1;
	(tag) =	ssettag s2;
	_ =	strace s9  }
0x27: {  	s1 =	sld [smem:$0x3FAB]  }
0x28: {  	s2 =	sld [smem:$0x3FAC]  }
0x29: {  	s4 =	sld [smem:$0x3FAE]  }
0x2a: {  	p0 =	seq.s32 s5, $0x0;
	s5 =	sld [smem:$0x3FAF]  }
0x2b: {  	s6 =	sld [smem:$0x3FB0]  }
0x2c: {  	s7 =	sld [smem:$0x3FB1]  }
0x2d: {  	s3 =	simm.s32 $0x108;
	s8 =	sld [smem:$0x3FB2]  }
0x2e: {  	s3 =	simm.s32 @!p0 $0x1082;
	s9 =	sld [smem:$0x3FB3]  }
0x2f: {  	lr =	sadd.s32 s0, s3;
	s0 =	sld [smem:$0x3FAA]  }
0x30: {  	s3 =	sld [smem:$0x3FAD]  }
0x31: {  	[smem:$0x3FB6] =	sst s10  }
0x32: {  	s10 =	sld [smem:$0x3FB4];
	_ =	sdelay $0x3  }
0x33: {  	p0 =	seq.s32 s10, $0x1;
	s10 =	sld [smem:$0x3FB6];
	_ =	sdelay $0x3  }
0x34: {  	[smem:$0x3FB6] =	sst s10  }
0x35: {  	s10 =	sld [smem:$0x3FB5];
	_ =	sdelay $0x3  }
0x36: {  	p1 =	seq.s32 s10, $0x1;
	s10 =	sld [smem:$0x3FB6];
	_ =	sdelay $0x3  }
0x37: {  	[smem:$0x3FB6] =	sst s10  }
0x38: {  	s10 =	sld [smem:$0x3FB7]  }
0x39: {  	_ = 	snop;
	(pc) =	sbr.ind lr, $3  }
0x3a: {  	_ = 	snop  }
0x3b: {  	_ = 	snop  }
0x3c: {  	p2 =	seq.s32 s10, $0x1;
	s10 =	sld [smem:$0x3FB6]  }
0x3d: {  	_ =	shalt  }
0x3e: {  	_ =	shalt  }
0x3f: {  	_ =	shalt  }
0x40: {  	_ =	shalt  }
0x41: {  	_ =	shalt  }
0x42: {  	_ =	shalt  }
0x43: {  	_ =	shalt  }
0x44: {  	_ =	shalt  }
0x45: {  	_ =	shalt  }
0x46: {  	_ =	shalt  }
0x47: {  	_ =	shalt  }
0x48: {  	_ =	shalt  }
0x49: {  	_ =	shalt  }
0x4a: {  	_ =	shalt  }
0x4b: {  	_ =	shalt  }
0x4c: {  	_ =	shalt  }
0x4d: {  	_ =	shalt  }
0x4e: {  	_ =	shalt  }
0x4f: {  	_ =	shalt  }
0x50: {  	_ =	shalt  }
0x51: {  	_ =	shalt  }
0x52: {  	_ =	shalt  }
0x53: {  	_ =	shalt  }
0x54: {  	_ =	shalt  }
0x55: {  	_ =	shalt  }
0x56: {  	_ =	shalt  }
0x57: {  	_ =	shalt  }
0x58: {  	_ =	shalt  }
0x59: {  	_ =	shalt  }
0x5a: {  	_ =	shalt  }
0x5b: {  	_ =	shalt  }
0x5c: {  	_ =	shalt  }
0x5d: {  	_ =	shalt  }
0x5e: {  	_ =	shalt  }
0x5f: {  	_ =	shalt  }
0x60: {  	_ =	shalt  }
0x61: {  	_ =	shalt  }
0x62: {  	_ =	shalt  }
0x63: {  	_ =	shalt  }
0x64: {  	_ =	shalt  }
0x65: {  	_ =	shalt  }
0x66: {  	_ =	shalt  }
0x67: {  	_ =	shalt  }
0x68: {  	_ =	shalt  }
0x69: {  	_ =	shalt  }
0x6a: {  	_ =	shalt  }
0x6b: {  	_ =	shalt  }
0x6c: {  	_ =	shalt  }
0x6d: {  	_ =	shalt  }
0x6e: {  	_ =	shalt  }
0x6f: {  	_ =	shalt  }
0x70: {  	_ =	shalt  }
0x71: {  	_ =	shalt  }
0x72: {  	_ =	shalt  }
0x73: {  	_ =	shalt  }
0x74: {  	_ =	shalt  }
0x75: {  	_ =	shalt  }
0x76: {  	_ =	shalt  }
0x77: {  	_ =	shalt  }
0x78: {  	_ =	shalt  }
0x79: {  	_ =	shalt  }
0x7a: {  	_ =	shalt  }
0x7b: {  	_ =	shalt  }
0x7c: {  	_ =	shalt  }
0x7d: {  	_ =	shalt  }
0x7e: {  	_ =	shalt  }
0x7f: {  	_ =	shalt  }
0x80: {  	_ =	shalt  }
0x81: {  	_ =	shalt  }
0x82: {  	_ =	shalt  }
0x83: {  	_ =	shalt  }
0x84: {  	_ =	shalt  }
0x85: {  	_ =	shalt  }
0x86: {  	_ =	shalt  }
0x87: {  	_ =	shalt  }
.Lfunc_end0:
.L_simem_size_0:
called_computation.2_lowered:
.L_overlay_start_0:
0x88: {  	s2 =	sld [smem:$0x3FD9]  }
0x89: {  	s3 =	sld [smem:$0x3FFE];
	_ =	sdelay $0x1  }
0x8a: {  	s1 =	srdreg.scid  }
0x8b: {  	s0 =	sand.u32 $0x1, s1  }
0x8c: {  	s17 =	sshll.u32 s0, $0xA;
	s2 =	sadd.s32 s3, s2  }
0x8d: {  	s2 =	sadd.s32 s2, s17  }
0x8e: {  	[smem:$0x3FC2] =	sst s2  }
0x8f: {  	_ = 	snop  }
0x90: {  	s2 =	sld [smem:$0x3FD0];
	(tm) =	ssettm $0x1  }
0x91: {  	s18 =	sld [smem:$0x3FFB];
	_ =	sdelay $0x3  }
0x92: {  	_ =	strace s18  }
0x93: {  	s3 =	sld [smem:$0x3FFC];
	_ =	sdelay $0x3  }
0x94: {  	_ =	strace s3  }
0x95: {  	s3 =	sld [smem:$0x3FFD];
	_ =	sdelay $0x3  }
0x96: {  	_ =	strace s3  }
0x97: {  	_ =	strace $0x8FFFFFFF  }
0x98: {  	s19 =	sld [smem:$0x3FDB];
	_ =	sdelay $0x1  }
0x99: {  	s4 =	simm.s32 $_scs_section_size  }
0x9a: {  	s5 =	simm.s32 $_size__tile_overlayer_lowered;
	s6 =	simm.s32 $_tile_overlayer_lowered  }
0x9b: {  	s22 =	simm.s32 $0x1BFF;
	s21 =	sshll.u32 s6, $0x1;
	s3 =	sadd.s32 s4, s19  }
0x9c: {  	s7 =	simm.s32 $0x0;
	s20 =	sshll.u32 s5, $0x1;
	s5 =	sadd.s32 s21, s3  }
0x9d: {  	[timem:s7], [sflag:s22] =	dma.local [hbm:s5], s20  }
0x9e: {  	_ =	swait.ge [sflag:s22], s20  }
0x9f: {  	s4 =	ssub.s32 $0x0, s20;
	[sflag:s22] =	ssyncset.done $0x0  }
0xa0: {  	[sflag:s22] =	ssyncadd.s32 s4;
	_ =	sdelay $0x1  }
0xa1: {  	s23 =	simm.s32 $0x1B8B  }
0xa2: {  	_ =	swait.ge [sflag:s23], $0x1  }
0xa3: {  	[sflag:s23] =	ssyncset.done $0x0  }
0xa4: {  	s25 =	simm.s32 $0x1B8E;
	s24 =	sld [smem:$0x3FFE];
	[sflag:s23] =	ssyncadd.s32 $0xFFFFFFFF  }
0xa5: {  	s26 =	simm.s32 $execute0_lowered;
	[smem:$0x3FD2] =	sst s25  }
0xa6: {  	s5 =	sshll.u32 s26, $0x1;
	_ =	strace $0x8000004C;
	[dreg:$0x1] =	wrdreg $0xFFFFFFFF  }
0xa7: {  	s28 =	simm.s32 $_size_execute0_lowered;
	s3 =	sadd.s32 s3, s5;
	[dreg:$0x0] =	wrdreg $0x0  }
0xa8: {  	s5 =	sshll.u32 s28, $0x1;
	[dreg:$0x2] =	wrdreg s3  }
0xa9: {  	[dreg:$0x3] =	wrdreg s5  }
0xaa: {  	[dreg:$0x4] =	wrdreg $0xC0  }
0xab: {  	_ =	task [dreg:s7], $0x5FFFF  }
0xac: {  	[dreg:$0x1] =	wrdreg $0xFFFFFFFF  }
0xad: {  	[dreg:$0x0] =	wrdreg $0x60  }
0xae: {  	[dreg:$0x2] =	wrdreg s2  }
0xaf: {  	[dreg:$0x3] =	wrdreg s24  }
0xb0: {  	[dreg:$0x4] =	wrdreg $0x68000  }
0xb1: {  	[dreg:$0x5] =	wrdreg $0x9  }
0xb2: {  	_ =	task.clear_ibuf [dreg:s7], $0x6FFFF;
	_ =	strace $0x9000004C  }
0xb3: {  	s29 =	simm.s32 $0x9;
	_ =	strace $0x8000004E  }
0xb4: {  	_ =	swait.ge [sflag:s29], $0x1  }
0xb5: {  	[sflag:s29] =	ssyncadd.s32 $0xFFFFFFFF  }
0xb6: {  	_ =	strace $0x9000004E  }
0xb7: {  	_ =	sfence  }
0xb8: {  	s30 =	sld [smem:$0x0];
	_ =	sdelay $0x2  }
0xb9: {  	s31 =	sshll.u32 s1, $0xD;
	s1 =	sshrl.u32 s1, $0x2  }
0xba: {  	s3 =	sand.u32 $0x4000, s31;
	s1 =	sadd.s32 s1, s30  }
0xbb: {  	s0 =	sor.u32 s3, s0;
	s1 =	sshll.u32 s1, $0x11  }
0xbc: {  	s0 =	sor.u32 s1, s0  }
0xbd: {  	s0 =	sadd.s32 $0x8F2B, s0  }
0xbe: {  	[sflag:s0] =	ssyncadd.remote.s32 $0x1  }
0xbf: {  	_ =	sfence.sel $0xFFFF  }
0xc0: {  	[dreg:$0x0] =	wrdreg $0xFFFFFFFF;
	(pc) =	sbr.abs _section_cstart, $3  }
0xc1: {  	[dreg:$0x1] =	wrdreg $0xFFFFFFFF  }
0xc2: {  	_ =	task.clear_ibuf [dreg:s7], $0x2FFFF;
	_ =	strace $0x9FFFFFFF  }
0xc3: {  	(tm) =	ssettm $0x7FFFFFFF  }
tec
execute0_lowered:
.L_overlay_start_1:
0x0: {  	(tag) =	ssettag $0x1  }
0x1: {  	s0 =	rddreg [dreg:$0x0]  }
0x2: {  	s1 =	srdreg.scid;
	s5 =	rddreg [dreg:$0x1]  }
0x3: {  	s3 =	rddreg [dreg:$0x2];
	s2 =	stileid.u32  }
0x4: {  	s4 =	simm.s32 $0x0;
	s14 =	simm.s32 $0x2800;
	s15 =	simm.s32 $0x3  }
0x5: {  	s16 =	simm.s32 $0x80;
	s17 =	simm.s32 $0x4800;
	s18 =	simm.s32 $0x1  }
0x6: {  	s19 =	simm.s32 $0x2;
	s20 =	simm.s32 $0x2700;
	s21 =	simm.s32 $0x2680  }
0x7: {  	s22 =	simm.s32 $0x2780;
	s6 =	sand.u32 $0x1, s1;
	s8 =	smul.u32 $0x28000, s2  }
0x8: {  	s1 =	rddreg [dreg:$0x3];
	s10 =	smul.u32 $0xA000, s2;
	s7 =	sshll.u32 s6, $0x4  }
0x9: {  	[smem:$0x7FF] =	sst s4;
	s31 =	smul.u32 $0x14000, s6;
	s7 =	sor.u32 s2, s7  }
0xa: {  	_ =	strace $0x8000004D;
	s6 =	ssub.s32 $0x2, s6;
	s7 =	smul.u32 $0xA00, s7  }
0xb: {  	s9 =	sshrl.u32 s6, $0x1;
	s8 =	sshrl.u32 s8, $0x2;
	s24 =	sshrl.u32 s10, $0x3  }
0xc: {  	s9 =	ssub.s32 s6, s9;
	s13 =	sadd.s32 s7, s5;
	s7 =	sadd.s32 s31, s5  }
0xd: {  	s6 =	sadd.s32 s10, s3;
	s5 =	sadd.s32 s8, s3;
	s23 =	sadd.s32 $0x16000, s7  }
0xe: {  	s7 =	smax.u32 s9, $0x1;
	s8 =	sadd.s32 $0x2000, s5;
	s9 =	sadd.s32 $0x4000, s5  }
0xf: {  	s10 =	sadd.s32 $0x6000, s5;
	s11 =	sadd.s32 $0x8000, s5;
	s12 =	sadd.s32 $0x2000, s13  }
0x10: {  	v0 =	vimm.f32 $0.0e+00;
	s13 =	sadd.s32 $0x2500, s13;
	s23 =	sadd.s32 s24, s23;
	s24 =	simm.s32 $0x0  }
.LBB2_1:
0x11: {  	s26 =	simm.s32 $0x100;
	s25 =	simm.s32 $0x0  }
.LBB2_2:
0x12: {  	p0 =	sne.s32 s26, $0x7F00;
	[tilespmem:s25+$0x2830] =	vst v0;
	s28 =	smov.u32 s26;
	s26 =	sadd.s32 $0x100, s26  }
.Ltmp0:
0x13: {  	[tilespmem:s25+$0x2820] =	vst v0;
	(pc) =	sbr.rel @p0 .LBB2_2-.Ltmp0, $3  }
0x14: {  	[tilespmem:s25+$0x2800] =	vst v0  }
0x15: {  	[tilespmem:s25+$0x2810] =	vst v0;
	_ =	sdelay $0x1  }
0x16: {  	s25 =	sshra.s32 s28, $0x2  }
0x17: {  	[tilespmem:s25+$0x2830] =	vst v0  }
0x18: {  	[tilespmem:s25+$0x2820] =	vst v0  }
0x19: {  	[tilespmem:s25+$0x2800] =	vst v0  }
0x1a: {  	[tilespmem:s25+$0x2810] =	vst v0  }
0x1b: {  	[spmem:s5] =	stream.linear.scatter [tilespmem:s14], [sflag:$0x3], $0x2000, $0x38;
	[tilespmem:$0x10800] =	vst v63  }
0x1c: {  	_ =	swait.ge [sflag:s15], $0x2000  }
0x1d: {  	[sflag:s15] =	ssyncset.done $0x0  }
0x1e: {  	[sflag:s15] =	ssyncadd.s32 $0xFFFFE000  }
0x1f: {  	[spmem:s8] =	stream.linear.scatter [tilespmem:s14], [sflag:$0x3], $0x2000, $0x38;
	[tilespmem:$0x10800] =	vst v63  }
0x20: {  	_ =	swait.ge [sflag:s15], $0x2000  }
0x21: {  	[sflag:s15] =	ssyncset.done $0x0  }
0x22: {  	[sflag:s15] =	ssyncadd.s32 $0xFFFFE000  }
0x23: {  	[spmem:s9] =	stream.linear.scatter [tilespmem:s14], [sflag:$0x3], $0x2000, $0x38;
	[tilespmem:$0x10800] =	vst v63  }
0x24: {  	_ =	swait.ge [sflag:s15], $0x2000  }
0x25: {  	[sflag:s15] =	ssyncset.done $0x0  }
0x26: {  	[sflag:s15] =	ssyncadd.s32 $0xFFFFE000  }
0x27: {  	[spmem:s10] =	stream.linear.scatter [tilespmem:s14], [sflag:$0x3], $0x2000, $0x38;
	[tilespmem:$0x10800] =	vst v63  }
0x28: {  	_ =	swait.ge [sflag:s15], $0x2000  }
0x29: {  	[sflag:s15] =	ssyncset.done $0x0  }
0x2a: {  	[sflag:s15] =	ssyncadd.s32 $0xFFFFE000  }
0x2b: {  	[spmem:s11] =	stream.linear.scatter [tilespmem:s14], [sflag:$0x3], $0x2000, $0x38;
	[tilespmem:$0x10800] =	vst v63  }
0x2c: {  	_ =	swait.ge [sflag:s15], $0x2000  }
0x2d: {  	[sflag:s15] =	ssyncset.done $0x0  }
0x2e: {  	[sflag:s15] =	ssyncadd.s32 $0xFFFFE000  }
0x2f: {  	[bflag:$0x0] =	sbarrier.arrive $0xFFFF  }
0x30: {  	[tilespmem:s4], [sflag:$0x3] =	stream.linear.gather [hbm4b:s12+s4], $0x2800, $0x38;
	[tilespmem:$0x10800] =	vst v63  }
0x31: {  	_ =	swait.ge [sflag:s15], $0x2800  }
0x32: {  	[sflag:s15] =	ssyncset.done $0x0  }
0x33: {  	[sflag:s15] =	ssyncadd.s32 $0xFFFFD800  }
0x34: {  	[tilespmem:s14], [sflag:$0x1] =	stream.indirect.gather [hbm4b:s0+s16], $0x40, s4, s16, $0xb8;
	[tilespmem:$0x10800] =	vst v63  }
0x35: {  	s28 =	simm.s32 $0x100  }
0x36: {  	[tilespmem:s17], [sflag:$0x2] =	stream.indirect.gather [hbm4b:s0+s16], $0x40, s28, s16, $0xb8;
	[tilespmem:$0x10800] =	vst v63  }
0x37: {  	_ =	swait.ge [sflag:s18], $0x2000  }
0x38: {  	[sflag:s18] =	ssyncset.done $0x0  }
0x39: {  	s29 =	simm.s32 $0x80;
	[sflag:s18] =	ssyncadd.s32 $0xFFFFE000  }
0x3a: {  	[spmem:s3] =	stream.indirect.scatter.add.f32 [tilespmem:s14], [sflag:$0x3], $0x40, s29, s16, $0xb8;
	[tilespmem:$0x10800] =	vst v63  }
0x3b: {  	_ =	swait.ge [sflag:s15], $0x2000  }
0x3c: {  	[sflag:s15] =	ssyncset.done $0x0  }
0x3d: {  	s30 =	simm.s32 $0x200;
	[sflag:s15] =	ssyncadd.s32 $0xFFFFE000  }
0x3e: {  	[tilespmem:s14], [sflag:$0x1] =	stream.indirect.gather [hbm4b:s0+s16], $0x40, s30, s16, $0xb8;
	[tilespmem:$0x10800] =	vst v63  }
0x3f: {  	_ =	swait.ge [sflag:s19], $0x2000  }
0x40: {  	[sflag:s19] =	ssyncset.done $0x0  }
0x41: {  	s31 =	simm.s32 $0x180;
	[sflag:s19] =	ssyncadd.s32 $0xFFFFE000  }
0x42: {  	[spmem:s3] =	stream.indirect.scatter.add.f32 [tilespmem:s17], [sflag:$0x3], $0x40, s31, s16, $0xb8;
	[tilespmem:$0x10800] =	vst v63  }
0x43: {  	_ =	swait.ge [sflag:s15], $0x2000  }
0x44: {  	s26 =	simm.s32 $0xFFFF7800;
	s25 =	simm.s32 $0xFFFFDC00;
	[sflag:s15] =	ssyncset.done $0x0  }
.LBB2_4:
0x45: {  	s28 =	sadd.s32 $0x2700, s25  }
0x46: {  	[sflag:s15] =	ssyncadd.s32 $0xFFFFE000;
	s29 =	smov.u32 s26;
	s30 =	sadd.s32 $0x800, s26  }
0x47: {  	[tilespmem:s17], [sflag:$0x2] =	stream.indirect.gather [hbm4b:s0+s16], $0x40, s28, s16, $0xb8;
	[tilespmem:$0x10800] =	vst v63  }
0x48: {  	p0 =	sne.s32 s26, $0xFFFFF800;
	_ =	swait.ge [sflag:s18], $0x2000  }
0x49: {  	[sflag:s18] =	ssyncset.done $0x0  }
0x4a: {  	s26 =	sadd.s32 $0x2680, s25;
	[sflag:s18] =	ssyncadd.s32 $0xFFFFE000  }
0x4b: {  	[spmem:s3] =	stream.indirect.scatter.add.f32 [tilespmem:s14], [sflag:$0x3], $0x40, s26, s16, $0xb8;
	[tilespmem:$0x10800] =	vst v63  }
0x4c: {  	_ =	swait.ge [sflag:s15], $0x2000  }
0x4d: {  	[sflag:s15] =	ssyncset.done $0x0  }
0x4e: {  	s26 =	sadd.s32 $0x2800, s25;
	[sflag:s15] =	ssyncadd.s32 $0xFFFFE000  }
0x4f: {  	[tilespmem:s14], [sflag:$0x1] =	stream.indirect.gather [hbm4b:s0+s16], $0x40, s26, s16, $0xb8;
	[tilespmem:$0x10800] =	vst v63  }
0x50: {  	_ =	swait.ge [sflag:s19], $0x2000  }
.Ltmp1:
0x51: {  	[sflag:s19] =	ssyncset.done $0x0;
	(pc) =	sbr.rel @p0 .LBB2_4-.Ltmp1, $4  }
0x52: {  	s25 =	sadd.s32 $0x2780, s25;
	[sflag:s19] =	ssyncadd.s32 $0xFFFFE000  }
0x53: {  	[spmem:s3] =	stream.indirect.scatter.add.f32 [tilespmem:s17], [sflag:$0x3], $0x40, s25, s16, $0xb8;
	[tilespmem:$0x10800] =	vst v63  }
0x54: {  	_ =	swait.ge [sflag:s15], $0x2000  }
0x55: {  	s26 =	smov.u32 s30;
	s25 =	sshra.s32 s29, $0x2;
	[sflag:s15] =	ssyncset.done $0x0  }
0x56: {  	s26 =	sadd.s32 $0x2700, s25;
	[sflag:s15] =	ssyncadd.s32 $0xFFFFE000  }
0x57: {  	[tilespmem:s17], [sflag:$0x2] =	stream.indirect.gather [hbm4b:s0+s16], $0x40, s26, s16, $0xb8;
	[tilespmem:$0x10800] =	vst v63  }
0x58: {  	_ =	swait.ge [sflag:s18], $0x2000  }
0x59: {  	[sflag:s18] =	ssyncset.done $0x0  }
0x5a: {  	s30 =	sadd.s32 $0x2680, s25;
	[sflag:s18] =	ssyncadd.s32 $0xFFFFE000  }
0x5b: {  	[spmem:s3] =	stream.indirect.scatter.add.f32 [tilespmem:s14], [sflag:$0x3], $0x40, s30, s16, $0xb8;
	[tilespmem:$0x10800] =	vst v63  }
0x5c: {  	_ =	swait.ge [sflag:s15], $0x2000  }
0x5d: {  	[sflag:s15] =	ssyncset.done $0x0  }
0x5e: {  	s31 =	sadd.s32 $0x2800, s25;
	[sflag:s15] =	ssyncadd.s32 $0xFFFFE000  }
0x5f: {  	[tilespmem:s14], [sflag:$0x1] =	stream.indirect.gather [hbm4b:s0+s16], $0x40, s31, s16, $0xb8;
	[tilespmem:$0x10800] =	vst v63  }
0x60: {  	_ =	swait.ge [sflag:s19], $0x2000  }
0x61: {  	[sflag:s19] =	ssyncset.done $0x0  }
0x62: {  	s26 =	sadd.s32 $0x2780, s25;
	[sflag:s19] =	ssyncadd.s32 $0xFFFFE000  }
0x63: {  	[spmem:s3] =	stream.indirect.scatter.add.f32 [tilespmem:s17], [sflag:$0x3], $0x40, s26, s16, $0xb8;
	[tilespmem:$0x10800] =	vst v63  }
0x64: {  	_ =	swait.ge [sflag:s15], $0x2000  }
0x65: {  	[sflag:s15] =	ssyncset.done $0x0  }
0x66: {  	[sflag:s15] =	ssyncadd.s32 $0xFFFFE000  }
0x67: {  	[tilespmem:s17], [sflag:$0x2] =	stream.indirect.gather [hbm4b:s0+s16], $0x40, s20, s16, $0xb8;
	[tilespmem:$0x10800] =	vst v63  }
0x68: {  	_ =	swait.ge [sflag:s18], $0x2000  }
0x69: {  	[sflag:s18] =	ssyncset.done $0x0  }
0x6a: {  	[sflag:s18] =	ssyncadd.s32 $0xFFFFE000  }
0x6b: {  	[spmem:s3] =	stream.indirect.scatter.add.f32 [tilespmem:s14], [sflag:$0x3], $0x40, s21, s16, $0xb8;
	[tilespmem:$0x10800] =	vst v63  }
0x6c: {  	_ =	swait.ge [sflag:s15], $0x2000  }
0x6d: {  	[sflag:s15] =	ssyncset.done $0x0  }
0x6e: {  	[sflag:s15] =	ssyncadd.s32 $0xFFFFE000  }
0x6f: {  	_ =	swait.ge [sflag:s19], $0x2000  }
0x70: {  	[sflag:s19] =	ssyncset.done $0x0  }
0x71: {  	[sflag:s19] =	ssyncadd.s32 $0xFFFFE000  }
0x72: {  	[spmem:s3] =	stream.indirect.scatter.add.f32 [tilespmem:s17], [sflag:$0x3], $0x40, s22, s16, $0xb8;
	[tilespmem:$0x10800] =	vst v63  }
0x73: {  	_ =	swait.ge [sflag:s15], $0x2000  }
0x74: {  	[sflag:s15] =	ssyncset.done $0x0  }
0x75: {  	[sflag:s15] =	ssyncadd.s32 $0xFFFFE000  }
0x76: {  	[tilespmem:s4], [sflag:$0x3] =	stream.linear.gather [hbm4b:s13+s4], $0x2800, $0x38;
	[tilespmem:$0x10800] =	vst v63  }
0x77: {  	_ =	swait.ge [sflag:s15], $0x2800  }
0x78: {  	[sflag:s15] =	ssyncset.done $0x0  }
0x79: {  	[sflag:s15] =	ssyncadd.s32 $0xFFFFD800  }
0x7a: {  	[tilespmem:s14], [sflag:$0x1] =	stream.indirect.gather [hbm4b:s0+s16], $0x40, s4, s16, $0xb8;
	[tilespmem:$0x10800] =	vst v63  }
0x7b: {  	s28 =	simm.s32 $0x100  }
0x7c: {  	[tilespmem:s17], [sflag:$0x2] =	stream.indirect.gather [hbm4b:s0+s16], $0x40, s28, s16, $0xb8;
	[tilespmem:$0x10800] =	vst v63  }
0x7d: {  	_ =	swait.ge [sflag:s18], $0x2000  }
0x7e: {  	[sflag:s18] =	ssyncset.done $0x0  }
0x7f: {  	s29 =	simm.s32 $0x80;
	[sflag:s18] =	ssyncadd.s32 $0xFFFFE000  }
0x80: {  	[spmem:s3] =	stream.indirect.scatter.add.f32 [tilespmem:s14], [sflag:$0x3], $0x40, s29, s16, $0xb8;
	[tilespmem:$0x10800] =	vst v63  }
0x81: {  	_ =	swait.ge [sflag:s15], $0x2000  }
0x82: {  	[sflag:s15] =	ssyncset.done $0x0  }
0x83: {  	s30 =	simm.s32 $0x200;
	[sflag:s15] =	ssyncadd.s32 $0xFFFFE000  }
0x84: {  	[tilespmem:s14], [sflag:$0x1] =	stream.indirect.gather [hbm4b:s0+s16], $0x40, s30, s16, $0xb8;
	[tilespmem:$0x10800] =	vst v63  }
0x85: {  	_ =	swait.ge [sflag:s19], $0x2000  }
0x86: {  	[sflag:s19] =	ssyncset.done $0x0  }
0x87: {  	s31 =	simm.s32 $0x180;
	[sflag:s19] =	ssyncadd.s32 $0xFFFFE000  }
0x88: {  	[spmem:s3] =	stream.indirect.scatter.add.f32 [tilespmem:s17], [sflag:$0x3], $0x40, s31, s16, $0xb8;
	[tilespmem:$0x10800] =	vst v63  }
0x89: {  	_ =	swait.ge [sflag:s15], $0x2000  }
0x8a: {  	s25 =	simm.s32 $0xFFFFDC00;
	s26 =	simm.s32 $0xFFFF7800;
	[sflag:s15] =	ssyncset.done $0x0  }
.LBB2_6:
0x8b: {  	s28 =	sadd.s32 $0x2700, s25  }
0x8c: {  	[sflag:s15] =	ssyncadd.s32 $0xFFFFE000;
	s29 =	smov.u32 s26;
	s30 =	sadd.s32 $0x800, s26  }
0x8d: {  	[tilespmem:s17], [sflag:$0x2] =	stream.indirect.gather [hbm4b:s0+s16], $0x40, s28, s16, $0xb8;
	[tilespmem:$0x10800] =	vst v63  }
0x8e: {  	p0 =	sne.s32 s26, $0xFFFFF800;
	_ =	swait.ge [sflag:s18], $0x2000  }
0x8f: {  	[sflag:s18] =	ssyncset.done $0x0  }
0x90: {  	s26 =	sadd.s32 $0x2680, s25;
	[sflag:s18] =	ssyncadd.s32 $0xFFFFE000  }
0x91: {  	[spmem:s3] =	stream.indirect.scatter.add.f32 [tilespmem:s14], [sflag:$0x3], $0x40, s26, s16, $0xb8;
	[tilespmem:$0x10800] =	vst v63  }
0x92: {  	_ =	swait.ge [sflag:s15], $0x2000  }
0x93: {  	[sflag:s15] =	ssyncset.done $0x0  }
0x94: {  	s26 =	sadd.s32 $0x2800, s25;
	[sflag:s15] =	ssyncadd.s32 $0xFFFFE000  }
0x95: {  	[tilespmem:s14], [sflag:$0x1] =	stream.indirect.gather [hbm4b:s0+s16], $0x40, s26, s16, $0xb8;
	[tilespmem:$0x10800] =	vst v63  }
0x96: {  	_ =	swait.ge [sflag:s19], $0x2000  }
.Ltmp2:
0x97: {  	[sflag:s19] =	ssyncset.done $0x0;
	(pc) =	sbr.rel @p0 .LBB2_6-.Ltmp2, $4  }
0x98: {  	s25 =	sadd.s32 $0x2780, s25;
	[sflag:s19] =	ssyncadd.s32 $0xFFFFE000  }
0x99: {  	[spmem:s3] =	stream.indirect.scatter.add.f32 [tilespmem:s17], [sflag:$0x3], $0x40, s25, s16, $0xb8;
	[tilespmem:$0x10800] =	vst v63  }
0x9a: {  	_ =	swait.ge [sflag:s15], $0x2000  }
0x9b: {  	s26 =	smov.u32 s30;
	s25 =	sshra.s32 s29, $0x2;
	[sflag:s15] =	ssyncset.done $0x0  }
0x9c: {  	s26 =	sadd.s32 $0x2700, s25;
	[sflag:s15] =	ssyncadd.s32 $0xFFFFE000  }
0x9d: {  	[tilespmem:s17], [sflag:$0x2] =	stream.indirect.gather [hbm4b:s0+s16], $0x40, s26, s16, $0xb8;
	[tilespmem:$0x10800] =	vst v63  }
0x9e: {  	_ =	swait.ge [sflag:s18], $0x2000  }
0x9f: {  	[sflag:s18] =	ssyncset.done $0x0  }
0xa0: {  	s31 =	sadd.s32 $0x2680, s25;
	[sflag:s18] =	ssyncadd.s32 $0xFFFFE000  }
0xa1: {  	[spmem:s3] =	stream.indirect.scatter.add.f32 [tilespmem:s14], [sflag:$0x3], $0x40, s31, s16, $0xb8;
	[tilespmem:$0x10800] =	vst v63  }
0xa2: {  	_ =	swait.ge [sflag:s15], $0x2000  }
0xa3: {  	[sflag:s15] =	ssyncset.done $0x0  }
0xa4: {  	s28 =	sadd.s32 $0x2800, s25;
	[sflag:s15] =	ssyncadd.s32 $0xFFFFE000  }
0xa5: {  	[tilespmem:s14], [sflag:$0x1] =	stream.indirect.gather [hbm4b:s0+s16], $0x40, s28, s16, $0xb8;
	[tilespmem:$0x10800] =	vst v63  }
0xa6: {  	_ =	swait.ge [sflag:s19], $0x2000  }
0xa7: {  	[sflag:s19] =	ssyncset.done $0x0  }
0xa8: {  	s29 =	sadd.s32 $0x2780, s25;
	[sflag:s19] =	ssyncadd.s32 $0xFFFFE000  }
0xa9: {  	[spmem:s3] =	stream.indirect.scatter.add.f32 [tilespmem:s17], [sflag:$0x3], $0x40, s29, s16, $0xb8;
	[tilespmem:$0x10800] =	vst v63  }
0xaa: {  	_ =	swait.ge [sflag:s15], $0x2000  }
0xab: {  	[sflag:s15] =	ssyncset.done $0x0  }
0xac: {  	[sflag:s15] =	ssyncadd.s32 $0xFFFFE000  }
0xad: {  	[tilespmem:s17], [sflag:$0x2] =	stream.indirect.gather [hbm4b:s0+s16], $0x40, s20, s16, $0xb8;
	[tilespmem:$0x10800] =	vst v63  }
0xae: {  	_ =	swait.ge [sflag:s18], $0x2000  }
0xaf: {  	[sflag:s18] =	ssyncset.done $0x0  }
0xb0: {  	[sflag:s18] =	ssyncadd.s32 $0xFFFFE000  }
0xb1: {  	[spmem:s3] =	stream.indirect.scatter.add.f32 [tilespmem:s14], [sflag:$0x3], $0x40, s21, s16, $0xb8;
	[tilespmem:$0x10800] =	vst v63  }
0xb2: {  	_ =	swait.ge [sflag:s15], $0x2000  }
0xb3: {  	[sflag:s15] =	ssyncset.done $0x0  }
0xb4: {  	[sflag:s15] =	ssyncadd.s32 $0xFFFFE000  }
0xb5: {  	_ =	swait.ge [sflag:s19], $0x2000  }
0xb6: {  	[sflag:s19] =	ssyncset.done $0x0  }
0xb7: {  	[sflag:s19] =	ssyncadd.s32 $0xFFFFE000  }
0xb8: {  	[spmem:s3] =	stream.indirect.scatter.add.f32 [tilespmem:s17], [sflag:$0x3], $0x40, s22, s16, $0xb8;
	[tilespmem:$0x10800] =	vst v63  }
0xb9: {  	_ =	swait.ge [sflag:s15], $0x2000  }
0xba: {  	[sflag:s15] =	ssyncset.done $0x0  }
0xbb: {  	[sflag:s15] =	ssyncadd.s32 $0xFFFFE000  }
0xbc: {  	[bflag:$0x0] =	sbarrier.arrive $0xFFFF  }
0xbd: {  	[tilespmem:s14], [sflag:$0x3] =	stream.linear.gather [spmem:s6], $0x2000, $0x38;
	[tilespmem:$0x10800] =	vst v63  }
0xbe: {  	_ =	swait.ge [sflag:s15], $0x2000  }
0xbf: {  	s30 =	sshll.u32 s2, $0x6;
	s24 =	sadd.s32 $0x1, s24;
	[sflag:s15] =	ssyncset.done $0x0  }
0xc0: {  	s25 =	sor.u32 $0x1C03, s30;
	p0 =	sne.s32 s24, s7;
	[sflag:s15] =	ssyncadd.s32 $0xFFFFE000  }
.Ltmp3:
0xc1: {  	s31 =	sshrl.u32 s6, $0x3;
	[bflag:$0x0] =	sbarrier.arrive $0xFFFF;
	(pc) =	sbr.rel @p0 .LBB2_1-.Ltmp3, $4  }
0xc2: {  	[hbm:s23], [sflag:s25] =	dma.local [spmem:s31], $0x1400  }
0xc3: {  	_ =	swait.ge [sflag:s15], $0x1400  }
0xc4: {  	[sflag:s15] =	ssyncset.done $0x0  }
0xc5: {  	[sflag:s15] =	ssyncadd.s32 $0xFFFFEC00  }
0xc6: {  	_ =	sfence.sel $0x180000  }
0xc7: {  	[bflag:$0x0] =	sbarrier.arrive $0xFFFF  }
0xc8: {  	p0 =	sne.s32 s2, $0x0;
	_ =	strace $0x9000004D  }
0xc9: {  	s0 =	sadd.s32 @!p0 $0x100000, s1;
	[bflag:$0x2] =	sbarrier.arrive $0xFFFF  }
0xca: {  	[sflag:s0] =	ssyncadd.tile.s32 @!p0 $0x1;
	_ =	shalt  }
.Lfunc_end2:
_tile_overlayer_lowered:
.L_overlay_start_2:
0xcb: {  	(tag) =	ssettag $0x2  }
0xcc: {  	s0 =	rddreg [dreg:$0x0];
	s2 =	stileid.u32  }
0xcd: {  	s1 =	rddreg [dreg:$0x1];
	p0 =	sne.s32 s2, $0x0  }
0xce: {  	s3 =	rddreg [dreg:$0x2];
	[bflag:$0x3] =	sbarrier.arrive $0xFFFF;
	s2 =	simm.s32 @!p0 $0x1C03  }
0xcf: {  	[timem:s3], [sflag:s2] =	dma.local @!p0 [hbm:s0], s1  }
0xd0: {  	s0 =	simm.s32 @!p0 $0x3  }
0xd1: {  	_ =	swait.ge @!p0 [sflag:s0], s1  }
0xd2: {  	s1 =	ssub.s32 @!p0 $0x0, s1;
	[sflag:s0] =	ssyncset.done @!p0 $0x0  }
0xd3: {  	[sflag:s0] =	ssyncadd.s32 @!p0 s1  }
0xd4: {  	[bflag:$0x3] =	sbarrier.arrive $0xFFFF  }
0xd5: {  	_ =	shalt  }

// kernel: kernel.9.cloned.1.call-start
scs
__scs_entry_jumppad:
0x0: {  	(pc) =	sbr.rel $0x88, $3  }
0x1: {  	(tag) =	ssettag $0x0;
	lr =	simm.s32 $0x1  }
0x2: {  	[smem:$0x3F9B] =	sst lr;
	_ =	strace $0xD0000000  }
0x3: {  	_ = 	snop  }
0x4: {  	_ = 	snop  }
0x5: {  	_ = 	snop  }
0x6: {  	_ = 	snop  }
0x7: {  	_ = 	snop  }
__scs_overlays_trampoline_lowered:
0x8: {  	[smem:$0x3FAA] =	sst s0  }
0x9: {  	[smem:$0x3FAB] =	sst s1  }
0xa: {  	[smem:$0x3FAC] =	sst s2  }
0xb: {  	[smem:$0x3FAD] =	sst s3  }
0xc: {  	[smem:$0x3FAE] =	sst s4  }
0xd: {  	[smem:$0x3FAF] =	sst s5  }
0xe: {  	[smem:$0x3FB0] =	sst s6  }
0xf: {  	[smem:$0x3FB1] =	sst s7  }
0x10: {  	[smem:$0x3FB2] =	sst s8  }
0x11: {  	[smem:$0x3FB3] =	sst s9;
	s0 =	simm.s32 @!p0 $0x0  }
0x12: {  	s1 =	sld [smem:$0x3F99];
	s0 =	simm.s32 @p0 $0x1  }
0x13: {  	[smem:$0x3FB4] =	sst s0;
	s0 =	simm.s32 @!p1 $0x0  }
0x14: {  	s2 =	sld [smem:$0x3F98];
	s0 =	simm.s32 @p1 $0x1  }
0x15: {  	[smem:$0x3FB5] =	sst s0;
	s0 =	simm.s32 @!p2 $0x0  }
0x16: {  	s3 =	sld [smem:$0x3FDB];
	s0 =	simm.s32 @p2 $0x1  }
0x17: {  	s4 =	simm.s32 $0x1BF5;
	[smem:$0x3FB7] =	sst s0  }
0x18: {  	s0 =	sld [smem:$0x3F9A];
	_ =	swait.ge [sflag:s4], $0x0  }
0x19: {  	s7 =	sld [smem:$0x3F9B]  }
0x1a: {  	s8 =	sadd.s32 $0xFFFFE003, lr  }
0x1b: {  	s9 =	sadd.s32 $0xFFFFFEF7, lr;
	s5 =	simm.s32 $0xFFFFFFFF;
	p2 =	slt.u32 s8, $0xFFFFF086  }
0x1c: {  	p1 =	slt.u32 s9, $0xF7A;
	s5 =	simm.s32 @!p2 $0x0  }
0x1d: {  	s5 =	simm.s32 @p1 $0x1;
	p0 =	seq.s32 s7, s2  }
0x1e: {  	s7 =	smul.u32 @!p0 $0xF7A, s2;
	p2 =	seq.s32 @!p0 s5, $0x0  }
0x1f: {  	s9 =	smul.u32 $0xF7A, s1;
	s8 =	simm.s32 @!p0 $0x1BF5;
	p2 =	por !p2, p0  }
0x20: {  	[sflag:s8] =	ssyncset.s32 @!p0 $0xFFFFF086;
	s6 =	sadd.s32 @!p0 s3, s7;
	s7 =	simm.s32 @!p0 $0x108  }
0x21: {  	s3 =	sadd.s32 s3, s9;
	s6 =	sadd.s32 @!p0 $0x88, s6;
	s7 =	simm.s32 @p2 $0x1082  }
0x22: {  	[simem:s7], [sflag:s8] =	dma.local @!p0 [hbm:s6], $0xF7A  }
0x23: {  	s9 =	sor.u32 $0xD0000000, s2;
	s6 =	simm.s32 $0x108;
	_ =	swait.ge @!p0 [sflag:s8], $0x0  }
0x24: {  	s3 =	sadd.s32 $0x88, s3;
	s6 =	simm.s32 @!p1 $0x1082;
	[sflag:s4] =	ssyncset.s32 $0xFFFFF086  }
0x25: {  	[simem:s6], [sflag:s4] =	dma.local [hbm:s3], $0xF7A  }
0x26: {  	[smem:$0x3F9B] =	sst s1;
	(tag) =	ssettag s2;
	_ =	strace s9  }
0x27: {  	s1 =	sld [smem:$0x3FAB]  }
0x28: {  	s2 =	sld [smem:$0x3FAC]  }
0x29: {  	s4 =	sld [smem:$0x3FAE]  }
0x2a: {  	p0 =	seq.s32 s5, $0x0;
	s5 =	sld [smem:$0x3FAF]  }
0x2b: {  	s6 =	sld [smem:$0x3FB0]  }
0x2c: {  	s7 =	sld [smem:$0x3FB1]  }
0x2d: {  	s3 =	simm.s32 $0x108;
	s8 =	sld [smem:$0x3FB2]  }
0x2e: {  	s3 =	simm.s32 @!p0 $0x1082;
	s9 =	sld [smem:$0x3FB3]  }
0x2f: {  	lr =	sadd.s32 s0, s3;
	s0 =	sld [smem:$0x3FAA]  }
0x30: {  	s3 =	sld [smem:$0x3FAD]  }
0x31: {  	[smem:$0x3FB6] =	sst s10  }
0x32: {  	s10 =	sld [smem:$0x3FB4];
	_ =	sdelay $0x3  }
0x33: {  	p0 =	seq.s32 s10, $0x1;
	s10 =	sld [smem:$0x3FB6];
	_ =	sdelay $0x3  }
0x34: {  	[smem:$0x3FB6] =	sst s10  }
0x35: {  	s10 =	sld [smem:$0x3FB5];
	_ =	sdelay $0x3  }
0x36: {  	p1 =	seq.s32 s10, $0x1;
	s10 =	sld [smem:$0x3FB6];
	_ =	sdelay $0x3  }
0x37: {  	[smem:$0x3FB6] =	sst s10  }
0x38: {  	s10 =	sld [smem:$0x3FB7]  }
0x39: {  	_ = 	snop;
	(pc) =	sbr.ind lr, $3  }
0x3a: {  	_ = 	snop  }
0x3b: {  	_ = 	snop  }
0x3c: {  	p2 =	seq.s32 s10, $0x1;
	s10 =	sld [smem:$0x3FB6]  }
0x3d: {  	_ =	shalt  }
0x3e: {  	_ =	shalt  }
0x3f: {  	_ =	shalt  }
0x40: {  	_ =	shalt  }
0x41: {  	_ =	shalt  }
0x42: {  	_ =	shalt  }
0x43: {  	_ =	shalt  }
0x44: {  	_ =	shalt  }
0x45: {  	_ =	shalt  }
0x46: {  	_ =	shalt  }
0x47: {  	_ =	shalt  }
0x48: {  	_ =	shalt  }
0x49: {  	_ =	shalt  }
0x4a: {  	_ =	shalt  }
0x4b: {  	_ =	shalt  }
0x4c: {  	_ =	shalt  }
0x4d: {  	_ =	shalt  }
0x4e: {  	_ =	shalt  }
0x4f: {  	_ =	shalt  }
0x50: {  	_ =	shalt  }
0x51: {  	_ =	shalt  }
0x52: {  	_ =	shalt  }
0x53: {  	_ =	shalt  }
0x54: {  	_ =	shalt  }
0x55: {  	_ =	shalt  }
0x56: {  	_ =	shalt  }
0x57: {  	_ =	shalt  }
0x58: {  	_ =	shalt  }
0x59: {  	_ =	shalt  }
0x5a: {  	_ =	shalt  }
0x5b: {  	_ =	shalt  }
0x5c: {  	_ =	shalt  }
0x5d: {  	_ =	shalt  }
0x5e: {  	_ =	shalt  }
0x5f: {  	_ =	shalt  }
0x60: {  	_ =	shalt  }
0x61: {  	_ =	shalt  }
0x62: {  	_ =	shalt  }
0x63: {  	_ =	shalt  }
0x64: {  	_ =	shalt  }
0x65: {  	_ =	shalt  }
0x66: {  	_ =	shalt  }
0x67: {  	_ =	shalt  }
0x68: {  	_ =	shalt  }
0x69: {  	_ =	shalt  }
0x6a: {  	_ =	shalt  }
0x6b: {  	_ =	shalt  }
0x6c: {  	_ =	shalt  }
0x6d: {  	_ =	shalt  }
0x6e: {  	_ =	shalt  }
0x6f: {  	_ =	shalt  }
0x70: {  	_ =	shalt  }
0x71: {  	_ =	shalt  }
0x72: {  	_ =	shalt  }
0x73: {  	_ =	shalt  }
0x74: {  	_ =	shalt  }
0x75: {  	_ =	shalt  }
0x76: {  	_ =	shalt  }
0x77: {  	_ =	shalt  }
0x78: {  	_ =	shalt  }
0x79: {  	_ =	shalt  }
0x7a: {  	_ =	shalt  }
0x7b: {  	_ =	shalt  }
0x7c: {  	_ =	shalt  }
0x7d: {  	_ =	shalt  }
0x7e: {  	_ =	shalt  }
0x7f: {  	_ =	shalt  }
0x80: {  	_ =	shalt  }
0x81: {  	_ =	shalt  }
0x82: {  	_ =	shalt  }
0x83: {  	_ =	shalt  }
0x84: {  	_ =	shalt  }
0x85: {  	_ =	shalt  }
0x86: {  	_ =	shalt  }
0x87: {  	_ =	shalt  }
.Lfunc_end0:
.L_simem_size_0:
called_computation_lowered:
.L_overlay_start_0:
0x88: {  	s2 =	sld [smem:$0x3FD9]  }
0x89: {  	s3 =	sld [smem:$0x3FFE];
	_ =	sdelay $0x1  }
0x8a: {  	s1 =	srdreg.scid  }
0x8b: {  	s0 =	sand.u32 $0x1, s1  }
0x8c: {  	s16 =	sshll.u32 s0, $0xA;
	s2 =	sadd.s32 s3, s2  }
0x8d: {  	s2 =	sadd.s32 s2, s16  }
0x8e: {  	[smem:$0x3FC2] =	sst s2  }
0x8f: {  	_ = 	snop  }
0x90: {  	(tm) =	ssettm $0x1  }
0x91: {  	s17 =	sld [smem:$0x3FFB];
	_ =	sdelay $0x3  }
0x92: {  	_ =	strace s17  }
0x93: {  	s2 =	sld [smem:$0x3FFC];
	_ =	sdelay $0x3  }
0x94: {  	_ =	strace s2  }
0x95: {  	s2 =	sld [smem:$0x3FFD];
	_ =	sdelay $0x3  }
0x96: {  	_ =	strace s2  }
0x97: {  	_ =	strace $0x8FFFFFFF  }
0x98: {  	s18 =	sld [smem:$0x3FDB];
	_ =	sdelay $0x1  }
0x99: {  	s19 =	simm.s32 $_scs_section_size  }
0x9a: {  	s4 =	simm.s32 $_size__tile_overlayer_lowered;
	s5 =	simm.s32 $_tile_overlayer_lowered  }
0x9b: {  	s22 =	simm.s32 $0x1BFF;
	s21 =	sshll.u32 s5, $0x1;
	s2 =	sadd.s32 s19, s18  }
0x9c: {  	s6 =	simm.s32 $0x0;
	s20 =	sshll.u32 s4, $0x1;
	s4 =	sadd.s32 s21, s2  }
0x9d: {  	[timem:s6], [sflag:s22] =	dma.local [hbm:s4], s20  }
0x9e: {  	_ =	swait.ge [sflag:s22], s20  }
0x9f: {  	s3 =	ssub.s32 $0x0, s20;
	[sflag:s22] =	ssyncset.done $0x0  }
0xa0: {  	[sflag:s22] =	ssyncadd.s32 s3;
	_ =	sdelay $0x1  }
0xa1: {  	s23 =	simm.s32 $0x1B8B  }
0xa2: {  	_ =	swait.ge [sflag:s23], $0x1  }
0xa3: {  	[sflag:s23] =	ssyncset.done $0x0  }
0xa4: {  	s25 =	simm.s32 $0x1B8E;
	s24 =	sld [smem:$0x3FFE];
	[sflag:s23] =	ssyncadd.s32 $0xFFFFFFFF  }
0xa5: {  	s26 =	simm.s32 $execute0_lowered;
	[smem:$0x3FD2] =	sst s25  }
0xa6: {  	s4 =	sshll.u32 s26, $0x1;
	_ =	strace $0x80000046;
	[dreg:$0x1] =	wrdreg $0xFFFFFFFF  }
0xa7: {  	s28 =	simm.s32 $_size_execute0_lowered;
	s2 =	sadd.s32 s2, s4;
	[dreg:$0x0] =	wrdreg $0x0  }
0xa8: {  	s4 =	sshll.u32 s28, $0x1;
	[dreg:$0x2] =	wrdreg s2  }
0xa9: {  	[dreg:$0x3] =	wrdreg s4  }
0xaa: {  	[dreg:$0x4] =	wrdreg $0xC0  }
0xab: {  	_ =	task [dreg:s6], $0x5FFFF  }
0xac: {  	[dreg:$0x1] =	wrdreg $0xFFFFFFFF  }
0xad: {  	[dreg:$0x0] =	wrdreg $0x60  }
0xae: {  	[dreg:$0x2] =	wrdreg s24  }
0xaf: {  	[dreg:$0x3] =	wrdreg $0x90000  }
0xb0: {  	[dreg:$0x4] =	wrdreg $0x9  }
0xb1: {  	_ =	task.clear_ibuf [dreg:s6], $0x5FFFF;
	_ =	strace $0x90000046  }
0xb2: {  	s29 =	simm.s32 $0x9;
	_ =	strace $0x80000048  }
0xb3: {  	_ =	swait.ge [sflag:s29], $0x1  }
0xb4: {  	[sflag:s29] =	ssyncadd.s32 $0xFFFFFFFF  }
0xb5: {  	_ =	strace $0x90000048  }
0xb6: {  	_ =	sfence  }
0xb7: {  	s30 =	sld [smem:$0x0];
	_ =	sdelay $0x2  }
0xb8: {  	s31 =	sshll.u32 s1, $0xD;
	s1 =	sshrl.u32 s1, $0x2  }
0xb9: {  	s3 =	sand.u32 $0x4000, s31;
	s1 =	sadd.s32 s1, s30  }
0xba: {  	s0 =	sor.u32 s3, s0;
	s1 =	sshll.u32 s1, $0x11  }
0xbb: {  	s0 =	sor.u32 s1, s0  }
0xbc: {  	s0 =	sadd.s32 $0x8F2B, s0  }
0xbd: {  	[sflag:s0] =	ssyncadd.remote.s32 $0x1  }
0xbe: {  	_ =	sfence.sel $0xFFFF  }
0xbf: {  	[dreg:$0x0] =	wrdreg $0xFFFFFFFF;
	(pc) =	sbr.abs _section_cstart, $3  }
0xc0: {  	[dreg:$0x1] =	wrdreg $0xFFFFFFFF  }
0xc1: {  	_ =	task.clear_ibuf [dreg:s6], $0x2FFFF;
	_ =	strace $0x9FFFFFFF  }
0xc2: {  	(tm) =	ssettm $0x7FFFFFFF  }
0xc3: {  	_ =	shalt  }
tec
execute0_lowered:
.L_overlay_start_1:
0x0: {  	(tag) =	ssettag $0x1  }
0x1: {  	s5 =	rddreg [dreg:$0x0]  }
0x2: {  	s0 =	srdreg.scid;
	s2 =	rddreg [dreg:$0x1]  }
0x3: {  	s3 =	simm.s32 $0x0;
	s4 =	sand.u32 $0x1, s0;
	s0 =	stileid.u32  }
0x4: {  	s11 =	simm.s32 $0x5000;
	s12 =	simm.s32 $0x1;
	s7 =	smul.u32 $0x50000, s0  }
0x5: {  	s13 =	simm.s32 $0x80;
	[smem:$0x7FF] =	sst s3;
	s8 =	smul.u32 $0x28000, s4  }
0x6: {  	s1 =	sshll.u32 s4, $0x4;
	s4 =	ssub.s32 $0x2, s4;
	s15 =	smul.u32 $0x2800, s0  }
0x7: {  	s16 =	sshll.u32 s0, $0x6;
	s6 =	sor.u32 s0, s1;
	s1 =	rddreg [dreg:$0x2]  }
0x8: {  	_ =	strace $0x80000047;
	s9 =	sshrl.u32 s4, $0x1;
	s6 =	smul.u32 $0xA00, s6  }
0x9: {  	s7 =	sshrl.u32 s7, $0x2;
	s8 =	sadd.s32 s8, s5;
	s9 =	ssub.s32 s4, s9  }
0xa: {  	s4 =	sadd.s32 s7, s2;
	s14 =	sadd.s32 $0x16000, s8;
	s6 =	sadd.s32 s6, s5  }
0xb: {  	s7 =	sadd.s32 $0x4000, s4;
	s8 =	sadd.s32 $0x8000, s4;
	s10 =	sadd.s32 $0x10000, s4  }
0xc: {  	s14 =	sadd.s32 s15, s14;
	s15 =	sor.u32 $0x1C01, s16;
	s16 =	sshrl.u32 s4, $0x3  }
0xd: {  	v0 =	vimm.f32 $0.0e+00;
	v1 =	vimm.f32 $1.000000000e+00;
	s5 =	sadd.s32 $0x2000, s6;
	s6 =	smax.u32 s9, $0x1;
	s9 =	sadd.s32 $0xC000, s4  }
.LBB2_1:
0xe: {  	s17 =	simm.s32 $0x200;
	s18 =	simm.s32 $0x0  }
.LBB2_2:
0xf: {  	p0 =	sne.s32 s17, $0xFE00;
	[tilespmem:s18+$0x5000] =	vst v0;
	s18 =	smov.u32 s17;
	s17 =	sadd.s32 $0x200, s17  }
.Ltmp0:
0x10: {  	(pc) =	sbr.rel @p0 .LBB2_2-.Ltmp0, $2  }
0x11: {  	_ =	sdelay $0x2  }
0x12: {  	s18 =	sshra.s32 s18, $0x2  }
0x13: {  	[tilespmem:s18+$0x5000] =	vst v0  }
0x14: {  	[spmem:s4] =	stream.linear.scatter [tilespmem:s11], [sflag:$0x1], $0x4000, $0x38;
	[tilespmem:$0xB800] =	vst v63  }
0x15: {  	_ =	swait.ge [sflag:s12], $0x4000  }
0x16: {  	[sflag:s12] =	ssyncset.done $0x0  }
0x17: {  	[sflag:s12] =	ssyncadd.s32 $0xFFFFC000  }
0x18: {  	[spmem:s7] =	stream.linear.scatter [tilespmem:s11], [sflag:$0x1], $0x4000, $0x38;
	[tilespmem:$0xB800] =	vst v63  }
0x19: {  	_ =	swait.ge [sflag:s12], $0x4000  }
0x1a: {  	[sflag:s12] =	ssyncset.done $0x0  }
0x1b: {  	[sflag:s12] =	ssyncadd.s32 $0xFFFFC000  }
0x1c: {  	[spmem:s8] =	stream.linear.scatter [tilespmem:s11], [sflag:$0x1], $0x4000, $0x38;
	[tilespmem:$0xB800] =	vst v63  }
0x1d: {  	_ =	swait.ge [sflag:s12], $0x4000  }
0x1e: {  	[sflag:s12] =	ssyncset.done $0x0  }
0x1f: {  	[sflag:s12] =	ssyncadd.s32 $0xFFFFC000  }
0x20: {  	[spmem:s9] =	stream.linear.scatter [tilespmem:s11], [sflag:$0x1], $0x4000, $0x38;
	[tilespmem:$0xB800] =	vst v63  }
0x21: {  	_ =	swait.ge [sflag:s12], $0x4000  }
0x22: {  	[sflag:s12] =	ssyncset.done $0x0  }
0x23: {  	[sflag:s12] =	ssyncadd.s32 $0xFFFFC000  }
0x24: {  	[spmem:s10] =	stream.linear.scatter [tilespmem:s11], [sflag:$0x1], $0x4000, $0x38;
	[tilespmem:$0xB800] =	vst v63  }
0x25: {  	_ =	swait.ge [sflag:s12], $0x4000  }
0x26: {  	[sflag:s12] =	ssyncset.done $0x0  }
0x27: {  	s17 =	simm.s32 $0x0;
	[sflag:s12] =	ssyncadd.s32 $0xFFFFC000  }
0x28: {  	[tilespmem:s17], [sflag:$0x1] =	stream.linear.gather [hbm4b:s5+s17], $0x5000, $0x38;
	[tilespmem:$0xB800] =	vst v63  }
0x29: {  	_ =	swait.ge [sflag:s12], $0x5000  }
0x2a: {  	[sflag:s12] =	ssyncset.done $0x0  }
0x2b: {  	s18 =	simm.s32 $0x0;
	s17 =	simm.s32 $0x200;
	[sflag:s12] =	ssyncadd.s32 $0xFFFFB000  }
.LBB2_4:
0x2c: {  	p0 =	sne.s32 s17, $0xFE00;
	[tilespmem:s18+$0x5000] =	vst v1;
	s18 =	smov.u32 s17;
	s17 =	sadd.s32 $0x200, s17  }
.Ltmp1:
0x2d: {  	(pc) =	sbr.rel @p0 .LBB2_4-.Ltmp1, $2  }
0x2e: {  	_ =	sdelay $0x2  }
0x2f: {  	s18 =	sshra.s32 s18, $0x2  }
0x30: {  	[tilespmem:s18+$0x5000] =	vst v1  }
0x31: {  	s17 =	simm.s32 $0x80;
	[bflag:$0x0] =	sbarrier.arrive $0xFFFF  }
0x32: {  	[spmem:s2] =	stream.indirect.scatter.add.f32 [tilespmem:s11], [sflag:$0x1], $0x10, s17, s13, $0xb8;
	[tilespmem:$0xB800] =	vst v63  }
0x33: {  	_ =	swait.ge [sflag:s12], $0x800  }
0x34: {  	s17 =	simm.s32 $0x600;
	[sflag:s12] =	ssyncset.done $0x0  }
.LBB2_6:
0x35: {  	s18 =	sshra.s32 s17, $0x2;
	[sflag:s12] =	ssyncadd.s32 $0xFFFFF800;
	p0 =	sne.s32 s17, $0x13E00  }
0x36: {  	[spmem:s2] =	stream.indirect.scatter.add.f32 [tilespmem:s11], [sflag:$0x1], $0x10, s18, s13, $0xb8;
	[tilespmem:$0xB800] =	vst v63  }
.Ltmp2:
0x37: {  	_ = 	snop;
	(pc) =	sbr.rel @p0 .LBB2_6-.Ltmp2, $4  }
0x38: {  	_ = 	snop  }
0x39: {  	s17 =	sadd.s32 $0x400, s17  }
0x3a: {  	_ =	swait.ge [sflag:s12], $0x800  }
0x3b: {  	[sflag:s12] =	ssyncset.done $0x0  }
0x3c: {  	[sflag:s12] =	ssyncadd.s32 $0xFFFFF800  }
0x3d: {  	[bflag:$0x0] =	sbarrier.arrive $0xFFFF  }
0x3e: {  	[tilespmem:s11], [sflag:$0x1] =	stream.linear.gather [spmem:s4], $0x4000, $0x38;
	[tilespmem:$0xB800] =	vst v63  }
0x3f: {  	_ =	swait.ge [sflag:s12], $0x4000  }
0x40: {  	s3 =	sadd.s32 $0x1, s3;
	[sflag:s12] =	ssyncset.done $0x0  }
0x41: {  	p0 =	sne.s32 s3, s6;
	[sflag:s12] =	ssyncadd.s32 $0xFFFFC000  }
.Ltmp3:
0x42: {  	[bflag:$0x0] =	sbarrier.arrive $0xFFFF;
	(pc) =	sbr.rel @p0 .LBB2_1-.Ltmp3, $4  }
0x43: {  	[hbm:s14], [sflag:s15] =	dma.local [spmem:s16], $0x2800  }
0x44: {  	_ =	swait.ge [sflag:s12], $0x2800  }
0x45: {  	[sflag:s12] =	ssyncset.done $0x0  }
0x46: {  	[sflag:s12] =	ssyncadd.s32 $0xFFFFD800  }
0x47: {  	_ =	sfence.sel $0x180000  }
0x48: {  	[bflag:$0x0] =	sbarrier.arrive $0xFFFF  }
0x49: {  	p0 =	sne.s32 s0, $0x0;
	_ =	strace $0x90000047  }
0x4a: {  	s0 =	sadd.s32 @!p0 $0x100000, s1;
	[bflag:$0x2] =	sbarrier.arrive $0xFFFF  }
0x4b: {  	[sflag:s0] =	ssyncadd.tile.s32 @!p0 $0x1;
	_ =	shalt  }
.Lfunc_end2:
_tile_overlayer_lowered:
.L_overlay_start_2:
0x4c: {  	(tag) =	ssettag $0x2  }
0x4d: {  	s0 =	rddreg [dreg:$0x0];
	s2 =	stileid.u32  }
0x4e: {  	s1 =	rddreg [dreg:$0x1];
	p0 =	sne.s32 s2, $0x0  }
0x4f: {  	s3 =	rddreg [dreg:$0x2];
	[bflag:$0x3] =	sbarrier.arrive $0xFFFF;
	s2 =	simm.s32 @!p0 $0x1C01  }
0x50: {  	[timem:s3], [sflag:s2] =	dma.local @!p0 [hbm:s0], s1  }
0x51: {  	s0 =	simm.s32 @!p0 $0x1  }
0x52: {  	_ =	swait.ge @!p0 [sflag:s0], s1  }
0x53: {  	s1 =	ssub.s32 @!p0 $0x0, s1;
	[sflag:s0] =	ssyncset.done @!p0 $0x0  }
0x54: {  	[sflag:s0] =	ssyncadd.s32 @!p0 s1  }
0x55: {  	[bflag:$0x3] =	sbarrier.arrive $0xFFFF  }
0x56: {  	_ =	shalt  }

</sc_bundles>
